<compile_context>
chip_gen: v7x
topology: tpu7x:2x2x1
jax: 0.10.2.dev20260603
libtpu: 0.0.44.dev20260713+nightly
codegen_flags: <defaults>
</compile_context>

<pallas_src>
import functools

import jax
import jax.numpy as jnp
from jax import lax
from jax.experimental import pallas as pl
from jax.experimental.pallas import tpu as pltpu
from jax.experimental.pallas import tpu_sc as plsc

NC = 2
NS = 16
NW = NC * NS
L = 16
K = 128

_mesh = lambda: plsc.VectorSubcoreMesh(core_axis_name="c", subcore_axis_name="s")


def _make_deg_kernel(n_pad, rt):
    @functools.partial(
        pl.kernel,
        out_type=jax.ShapeDtypeStruct((NW, n_pad), jnp.float32),
        mesh=_mesh(),
        scratch_types=[
            pltpu.VMEM((n_pad,), jnp.float32),
            pltpu.VMEM((K,), jnp.int32),
        ],
        compiler_params=pltpu.CompilerParams(needs_layout_passes=False),
    )
    def deg_kernel(dstr, outd, deg_v, idx_v):
        cid = lax.axis_index("c")
        sid = lax.axis_index("s")
        wid = cid * NS + sid
        ones = jnp.ones((L,), jnp.float32)

        def zero_body(i, _):
            deg_v[pl.ds(i * L, L)] = jnp.zeros((L,), jnp.float32)
            return 0
        lax.fori_loop(0, n_pad // L, zero_body, 0)

        def row_body(j, _):
            pltpu.sync_copy(dstr.at[wid * rt + j], idx_v)
            def grp_body(g, _):
                dv = idx_v[pl.ds(g * L, L)]
                plsc.addupdate_scatter(deg_v, [dv], ones)
                return 0
            lax.fori_loop(0, K // L, grp_body, 0)
            return 0
        lax.fori_loop(0, rt, row_body, 0)

        pltpu.sync_copy(deg_v, outd.at[wid])

    return deg_kernel


def _make_scatter_kernel(n, n_pad, rt):
    zr = n_pad // NS

    @functools.partial(
        pl.kernel,
        out_type=jax.ShapeDtypeStruct((NC, n_pad, 128), jnp.float32),
        mesh=_mesh(),
        scratch_types=[
            pltpu.VMEM_SHARED((n_pad, 128), jnp.float32),
            pltpu.VMEM((K,), jnp.int32),
            pltpu.VMEM((K,), jnp.int32),
            pltpu.VMEM((K, 128), jnp.float32),
            pltpu.VMEM((L, 128), jnp.float32),
            pltpu.SemaphoreType.DMA,
        ],
    )
    def scatter_kernel(hws, srcr, dstr, accp, acc, idx_s, idx_d, rows, zbuf, sem):
        cid = lax.axis_index("c")
        sid = lax.axis_index("s")
        wid = cid * NS + sid

        def zb(i, _):
            def zg(g, _):
                zbuf[i, pl.ds(g * L, L)] = jnp.zeros((L,), jnp.float32)
                return 0
            lax.fori_loop(0, 128 // L, zg, 0)
            return 0
        lax.fori_loop(0, L, zb, 0)

        def zc(t, _):
            pltpu.sync_copy(zbuf, acc.at[pl.ds(sid * zr + t * L, L)])
            return 0
        lax.fori_loop(0, zr // L, zc, 0)
        plsc.subcore_barrier()

        def row_body(j, _):
            r = wid * rt + j
            pltpu.sync_copy(srcr.at[r], idx_s)
            pltpu.sync_copy(dstr.at[r], idx_d)
            pltpu.async_copy(hws.at[idx_s], rows, sem).wait()
            pltpu.sync_copy(rows, acc.at[idx_d], add=True)
            return 0
        lax.fori_loop(0, rt, row_body, 0)
        plsc.subcore_barrier()

        pltpu.sync_copy(acc.at[pl.ds(sid * zr, zr)],
                        accp.at[cid, pl.ds(sid * zr, zr)])

    return scatter_kernel


def _make_query_kernel(n_pad, q_pad, qrt):
    @functools.partial(
        pl.kernel,
        out_type=(
            jax.ShapeDtypeStruct((q_pad, 128), jnp.float32),
            jax.ShapeDtypeStruct((q_pad, 128), jnp.float32),
            jax.ShapeDtypeStruct((q_pad,), jnp.float32),
            jax.ShapeDtypeStruct((q_pad,), jnp.float32),
        ),
        mesh=_mesh(),
        scratch_types=[
            pltpu.VMEM((K,), jnp.int32),
            pltpu.VMEM((K,), jnp.int32),
            pltpu.VMEM((K, 128), jnp.float32),
            pltpu.VMEM((K, 128), jnp.float32),
            pltpu.VMEM((n_pad,), jnp.int32),
            pltpu.VMEM((n_pad,), jnp.int32),
            pltpu.VMEM((K,), jnp.float32),
            pltpu.VMEM((K,), jnp.float32),
            pltpu.SemaphoreType.DMA,
            pltpu.SemaphoreType.DMA,
        ],
        compiler_params=pltpu.CompilerParams(needs_layout_passes=False),
    )
    def query_kernel(z, qsr, qdr, ivp, pidp, zs, zd, idiff, spart,
                     idx_s, idx_d, rows_s, rows_d, iv_v, pid_v, fb1, fb2,
                     sem1, sem2):
        cid = lax.axis_index("c")
        sid = lax.axis_index("s")
        wid = cid * NS + sid
        pltpu.sync_copy(ivp, iv_v)
        pltpu.sync_copy(pidp, pid_v)

        def row_body(j, _):
            r = wid * qrt + j
            pltpu.sync_copy(qsr.at[r], idx_s)
            pltpu.sync_copy(qdr.at[r], idx_d)
            cs = pltpu.async_copy(z.at[idx_s], rows_s, sem1)
            cd = pltpu.async_copy(z.at[idx_d], rows_d, sem2)

            def grp_body(g, _):
                qsv = idx_s[pl.ds(g * L, L)]
                qdv = idx_d[pl.ds(g * L, L)]
                ivs = plsc.load_gather(iv_v, [qsv])
                ivd = plsc.load_gather(iv_v, [qdv])
                fb1[pl.ds(g * L, L)] = (ivd - ivs).astype(jnp.float32)
                ps = plsc.load_gather(pid_v, [qsv])
                pd = plsc.load_gather(pid_v, [qdv])
                fb2[pl.ds(g * L, L)] = jnp.where(
                    ps == pd, jnp.float32(1.0), jnp.float32(0.0))
                return 0
            lax.fori_loop(0, K // L, grp_body, 0)

            pltpu.sync_copy(fb1, idiff.at[pl.ds(r * K, K)])
            pltpu.sync_copy(fb2, spart.at[pl.ds(r * K, K)])
            cs.wait()
            pltpu.sync_copy(rows_s, zs.at[pl.ds(r * K, K)])
            cd.wait()
            pltpu.sync_copy(rows_d, zd.at[pl.ds(r * K, K)])
            return 0
        lax.fori_loop(0, qrt, row_body, 0)

    return query_kernel


def _tc_first(degp_blk, x_blk, w_blk, dinv_blk, hws_blk):
    deg = jnp.sum(degp_blk[...], axis=0) + 1.0
    dinv = lax.rsqrt(deg)
    dinv_blk[...] = dinv
    hw = jnp.dot(x_blk[...], w_blk[...], preferred_element_type=jnp.float32)
    hws_blk[...] = hw * dinv[:, None]


def _tc_mid(accp_blk, hws_blk, dinv_blk, b_blk, w_blk, out_blk):
    acc = accp_blk[0] + accp_blk[1] + hws_blk[...]
    dinv = dinv_blk[...]
    h = jax.nn.relu(acc * dinv[:, None] + b_blk[...][None, :])
    out_blk[...] = jnp.dot(h, w_blk[...],
                           preferred_element_type=jnp.float32) * dinv[:, None]


def _tc_last(accp_blk, hws_blk, dinv_blk, b_blk, w_blk, bf_blk, z_blk):
    acc = accp_blk[0] + accp_blk[1] + hws_blk[...]
    dinv = dinv_blk[...]
    h = jax.nn.relu(acc * dinv[:, None] + b_blk[...][None, :])
    z_blk[...] = jnp.dot(h, w_blk[...],
                         preferred_element_type=jnp.float32) + bf_blk[...][None, :]


def _tc_decoder(zs_blk, zd_blk, idf_blk, spt_blk, w1a, w1b, wci, wcs, b1,
                w2, b2, w3, b3, out_blk):
    t = jnp.dot(zs_blk[...], w1a[...], preferred_element_type=jnp.float32)
    t = t + jnp.dot(zd_blk[...], w1b[...], preferred_element_type=jnp.float32)
    t = t + idf_blk[...][:, None] * wci[...][None, :]
    t = t + spt_blk[...][:, None] * wcs[...][None, :]
    t = jax.nn.relu(t + b1[...][None, :])
    t = jax.nn.relu(jnp.dot(t, w2[...], preferred_element_type=jnp.float32)
                    + b2[...][None, :])
    logit = jnp.sum(t * w3[...][None, :], axis=1) + b3[0, 0]
    out_blk[...] = jax.nn.sigmoid(logit)


def kernel(x, edge_index, query_edges, int_values, partition_ids,
           W1, b1, W2, b2, Wf, bf, Wd1, bd1, Wd2, bd2, Wd3, bd3):
    n, f_in = x.shape
    e = edge_index.shape[1]
    q = query_edges.shape[1]
    hid = W1.shape[1]

    bn = 2048
    n_pad = ((n + bn - 1) // bn) * bn
    n_blocks = n_pad // bn

    rt = -(-e // (K * NW))
    e_pad = rt * NW * K
    src_r = jnp.pad(edge_index[0], (0, e_pad - e)).reshape(rt * NW, K)
    dst_r = jnp.pad(edge_index[1], (0, e_pad - e),
                    constant_values=n).reshape(rt * NW, K)

    qrt = -(-q // (K * NW))
    q_pad = qrt * NW * K
    qs_r = jnp.pad(query_edges[0], (0, q_pad - q)).reshape(qrt * NW, K)
    qd_r = jnp.pad(query_edges[1], (0, q_pad - q)).reshape(qrt * NW, K)
    iv_p = jnp.pad(int_values, (0, n_pad - n))
    pid_p = jnp.pad(partition_ids, (0, n_pad - n))

    deg_kernel = _make_deg_kernel(n_pad, rt)
    scatter_kernel = _make_scatter_kernel(n, n_pad, rt)
    query_kernel = _make_query_kernel(n_pad, q_pad, qrt)

    degp = deg_kernel(dst_r)

    grid_n = (n_blocks,)
    dinv, hws1 = pl.pallas_call(
        _tc_first,
        grid=grid_n,
        in_specs=[
            pl.BlockSpec((NW, bn), lambda i: (0, i)),
            pl.BlockSpec((bn, f_in), lambda i: (i, 0)),
            pl.BlockSpec((f_in, hid), lambda i: (0, 0)),
        ],
        out_specs=[
            pl.BlockSpec((bn,), lambda i: (i,)),
            pl.BlockSpec((bn, hid), lambda i: (i, 0)),
        ],
        out_shape=[
            jax.ShapeDtypeStruct((n_pad,), jnp.float32),
            jax.ShapeDtypeStruct((n, hid), jnp.float32),
        ],
    )(degp, x, W1)

    accp1 = scatter_kernel(hws1, src_r, dst_r)

    hws2 = pl.pallas_call(
        _tc_mid,
        grid=grid_n,
        in_specs=[
            pl.BlockSpec((NC, bn, hid), lambda i: (0, i, 0)),
            pl.BlockSpec((bn, hid), lambda i: (i, 0)),
            pl.BlockSpec((bn,), lambda i: (i,)),
            pl.BlockSpec((hid,), lambda i: (0,)),
            pl.BlockSpec((hid, hid), lambda i: (0, 0)),
        ],
        out_specs=pl.BlockSpec((bn, hid), lambda i: (i, 0)),
        out_shape=jax.ShapeDtypeStruct((n, hid), jnp.float32),
    )(accp1, hws1, dinv, b1, W2)

    accp2 = scatter_kernel(hws2, src_r, dst_r)

    emb = Wf.shape[1]
    z = pl.pallas_call(
        _tc_last,
        grid=grid_n,
        in_specs=[
            pl.BlockSpec((NC, bn, hid), lambda i: (0, i, 0)),
            pl.BlockSpec((bn, hid), lambda i: (i, 0)),
            pl.BlockSpec((bn,), lambda i: (i,)),
            pl.BlockSpec((hid,), lambda i: (0,)),
            pl.BlockSpec((hid, emb), lambda i: (0, 0)),
            pl.BlockSpec((emb,), lambda i: (0,)),
        ],
        out_specs=pl.BlockSpec((bn, emb), lambda i: (i, 0)),
        out_shape=jax.ShapeDtypeStruct((n, emb), jnp.float32),
    )(accp2, hws2, dinv, b2, Wf, bf)

    zs, zd, idiff, spart = query_kernel(z, qs_r, qd_r, iv_p, pid_p)

    hid2 = Wd2.shape[1]
    w1a = Wd1[:emb]
    w1b = Wd1[emb:2 * emb]
    wci = Wd1[2 * emb]
    wcs = Wd1[2 * emb + 1]
    w2p = jnp.pad(Wd2, ((0, 0), (0, hid - hid2)))
    b2p = jnp.pad(bd2, (0, hid - hid2))
    w3v = jnp.pad(Wd3[:, 0], (0, hid - hid2))
    b3 = bd3.reshape(1, 1)

    bq = 2048
    q_blocks = q_pad // bq
    out_full = pl.pallas_call(
        _tc_decoder,
        grid=(q_blocks,),
        in_specs=[
            pl.BlockSpec((bq, emb), lambda i: (i, 0)),
            pl.BlockSpec((bq, emb), lambda i: (i, 0)),
            pl.BlockSpec((bq,), lambda i: (i,)),
            pl.BlockSpec((bq,), lambda i: (i,)),
            pl.BlockSpec((emb, hid), lambda i: (0, 0)),
            pl.BlockSpec((emb, hid), lambda i: (0, 0)),
            pl.BlockSpec((hid,), lambda i: (0,)),
            pl.BlockSpec((hid,), lambda i: (0,)),
            pl.BlockSpec((hid,), lambda i: (0,)),
            pl.BlockSpec((hid, hid), lambda i: (0, 0)),
            pl.BlockSpec((hid,), lambda i: (0,)),
            pl.BlockSpec((hid,), lambda i: (0,)),
            pl.BlockSpec((1, 1), lambda i: (0, 0)),
        ],
        out_specs=pl.BlockSpec((bq,), lambda i: (i,)),
        out_shape=jax.ShapeDtypeStruct((q_pad,), jnp.float32),
    )(zs, zd, idiff, spart, w1a, w1b, wci, wcs, bd1, w2p, b2p, w3v, b3)

    return out_full[:q]

# --- scband reference (transcript-rebuilt; emitter-appended) ---
"""Pipeline reference for scband-next-integer-link-predictor-15522011808327 (READ-ONLY COPY).

The authoritative reference and input builder live on the scoring server;
editing this copy changes nothing except your own understanding.
"""

import jax, jax.numpy as jnp
import numpy as np

N = 10000
E = 320000
Q = 100000
F_IN = 128
HID = 128
EMB = 128
DEC_IN = EMB * 2 + 2


def setup_inputs(seed: int = 0) -> dict:
    key = jax.random.key(seed)
    ks = jax.random.split(key, 20)
    x = jax.random.normal(ks[0], (N, F_IN), dtype=jnp.float32)
    edge_index = jax.random.randint(ks[1], (2, E), 0, N, dtype=jnp.int32)
    query_edges = jax.random.randint(ks[2], (2, Q), 0, N, dtype=jnp.int32)
    int_values = jax.random.randint(ks[3], (N,), 0, 10000, dtype=jnp.int32)
    partition_ids = jax.random.randint(ks[4], (N,), 0, 100, dtype=jnp.int32)
    def lin(k, fan_in, fan_out):
        bound = 1.0 / np.sqrt(fan_in)
        k1, k2 = jax.random.split(k)
        W = jax.random.uniform(k1, (fan_in, fan_out), minval=-bound, maxval=bound, dtype=jnp.float32)
        b = jax.random.uniform(k2, (fan_out,), minval=-bound, maxval=bound, dtype=jnp.float32)
        return W, b
    W1, b1 = lin(ks[5], F_IN, HID)
    W2, b2 = lin(ks[6], HID, HID)
    Wf, bf = lin(ks[7], HID, EMB)
    Wd1, bd1 = lin(ks[8], DEC_IN, HID)
    Wd2, bd2 = lin(ks[9], HID, HID // 2)
    Wd3, bd3 = lin(ks[10], HID // 2, 1)
    return {
        'x': x, 'edge_index': edge_index, 'query_edges': query_edges,
        'int_values': int_values, 'partition_ids': partition_ids,
        'W1': W1, 'b1': b1, 'W2': W2, 'b2': b2, 'Wf': Wf, 'bf': bf,
        'Wd1': Wd1, 'bd1': bd1, 'Wd2': Wd2, 'bd2': bd2, 'Wd3': Wd3, 'bd3': bd3,
    }


def _gcn_conv(h, edge_index, W, b, num_nodes):
    # PyG GCNConv: add self-loops, symmetric normalization, linear, scatter-add
    loop = jnp.arange(num_nodes, dtype=edge_index.dtype)
    src = jnp.concatenate([edge_index[0], loop])
    dst = jnp.concatenate([edge_index[1], loop])
    h = h @ W
    deg = jax.ops.segment_sum(jnp.ones_like(src, dtype=h.dtype), dst, num_segments=num_nodes)
    dinv = jnp.where(deg > 0, 1.0 / jnp.sqrt(jnp.maximum(deg, 1e-12)), 0.0)
    norm = dinv[src] * dinv[dst]
    msg = h[src] * norm[:, None]
    out = jax.ops.segment_sum(msg, dst, num_segments=num_nodes)
    return out + b


def reference(x, edge_index, query_edges, int_values, partition_ids,
              W1, b1, W2, b2, Wf, bf, Wd1, bd1, Wd2, bd2, Wd3, bd3):
    # Encoder (dropout is identity in eval mode)
    h = jax.nn.relu(_gcn_conv(x, edge_index, W1, b1, N))
    h = jax.nn.relu(_gcn_conv(h, edge_index, W2, b2, N))
    z = h @ Wf + bf
    # Gather query endpoints
    zs = z[query_edges[0]]
    zd = z[query_edges[1]]
    # Pairwise features
    int_diff = (int_values[query_edges[1]] - int_values[query_edges[0]]).astype(jnp.float32)[:, None]
    same_part = (partition_ids[query_edges[0]] == partition_ids[query_edges[1]]).astype(jnp.float32)[:, None]
    pf = jnp.concatenate([int_diff, same_part], axis=-1)
    # Decoder MLP
    t = jnp.concatenate([zs, zd, pf], axis=-1)
    t = jax.nn.relu(t @ Wd1 + bd1)
    t = jax.nn.relu(t @ Wd2 + bd2)
    t = t @ Wd3 + bd3
    return jnp.squeeze(jax.nn.sigmoid(t), axis=-1)

if __name__ == "__main__":
    import jax
    _d = setup_inputs()
    print(jax.jit(kernel)(*tuple(_d.values())))

</pallas_src>

<mosaic_0001>
#map = affine_map<(d0, d1) -> (0, 0)>
#map1 = affine_map<(d0, d1) -> (0, 0, 0)>
module attributes {stable_mosaic.version = 14 : i64} {
  func.func @scatter_kernel(%arg0: i32, %arg1: i32, %arg2: memref<10000x128xf32, #tpu.memory_space<hbm>>, %arg3: memref<2528x128xi32, #tpu.memory_space<hbm>>, %arg4: memref<2528x128xi32, #tpu.memory_space<hbm>>, %arg5: memref<2x10240x128xf32, #tpu.memory_space<hbm>>, %arg6: memref<10240x128xf32, #tpu.memory_space<vmem_shared>>, %arg7: memref<128xi32, #tpu.memory_space<vmem>>, %arg8: memref<128xi32, #tpu.memory_space<vmem>>, %arg9: memref<128x128xf32, #tpu.memory_space<vmem>>, %arg10: memref<16x128xf32, #tpu.memory_space<vmem>>, %arg11: memref<!tpu.dma_semaphore, #tpu.memory_space<semaphore_mem>>) attributes {dimension_semantics = [#tpu.dimension_semantics<core_parallel>, #tpu.dimension_semantics<subcore_parallel>], iteration_bounds = array<i64: 2, 16>, scalar_prefetch = 0 : i64, scratch_operands = 6 : i64, tpu.core_type = #tpu.core_type<sc_vector_subcore>, window_params = [{transform_indices = #map}, {transform_indices = #map}, {transform_indices = #map}, {transform_indices = #map1}]} {
    %mul3A = arith.constant 16 : i32
    %mul3A_0 = arith.muli %arg0, %mul3A : i32
    %add3A = arith.addi %mul3A_0, %arg1 : i32
    %scan3A = arith.constant 0 : i32
    %scan3A_1 = arith.constant 0 : i32
    %scan3A_2 = arith.constant 16 : i32
    %scan3A_3 = arith.addi %scan3A_1, %scan3A_2 : i32
    %scan3A_4 = arith.constant 1 : i32
    %scan3A_5 = scf.for %scan3A_26 = %scan3A_1 to %scan3A_3 step %scan3A_4 iter_args(%scan3A_27 = %scan3A) -> (i32)  : i32 {
      %scan3A_28 = arith.constant 0 : i32
      %scan3A_29 = arith.constant 0 : i32
      %scan3A_30 = arith.constant 8 : i32
      %scan3A_31 = arith.addi %scan3A_29, %scan3A_30 : i32
      %scan3A_32 = arith.constant 1 : i32
      %scan3A_33 = scf.for %scan3A_36 = %scan3A_29 to %scan3A_31 step %scan3A_32 iter_args(%scan3A_37 = %scan3A_28) -> (i32)  : i32 {
        %broadcast_in_dim3A = arith.constant 0.000000e+00 : f32
        %broadcast_in_dim3A_38 = vector.broadcast %broadcast_in_dim3A : f32 to vector<16xf32>
        %mul3A_39 = arith.constant 16 : i32
        %mul3A_40 = arith.muli %scan3A_36, %mul3A_39 : i32
        %swap3A = arith.index_cast %scan3A_26 : i32 to index
        %swap3A_41 = arith.index_cast %mul3A_40 : i32 to index
        %swap3A_42 = tpu.vector_load %arg10[%swap3A, %swap3A_41] {strides = array<i32>} : memref<16x128xf32, #tpu.memory_space<vmem>>, vector<1x16xf32>,
        %swap3A_43 = vector.shape_cast %swap3A_42 : vector<1x16xf32> to vector<16xf32>
        %swap3A_44 = vector.shape_cast %broadcast_in_dim3A_38 : vector<16xf32> to vector<1x16xf32>
        tpu.vector_store %arg10[%swap3A, %swap3A_41], %swap3A_44 {strides = array<i32>} : memref<16x128xf32, #tpu.memory_space<vmem>>, vector<1x16xf32>,
        %scan3A_45 = arith.constant 0 : i32
        scf.yield %scan3A_45 : i32
      }
      %scan3A_34 = arith.constant 8 : i32
      %scan3A_35 = arith.constant 0 : i32
      scf.yield %scan3A_35 : i32
    }
    %scan3A_6 = arith.constant 16 : i32
    %scan3A_7 = arith.constant 0 : i32
    %scan3A_8 = arith.constant 0 : i32
    %scan3A_9 = arith.constant 40 : i32
    %scan3A_10 = arith.addi %scan3A_8, %scan3A_9 : i32
    %scan3A_11 = arith.constant 1 : i32
    %scan3A_12 = scf.for %scan3A_26 = %scan3A_8 to %scan3A_10 step %scan3A_11 iter_args(%scan3A_27 = %scan3A_7) -> (i32)  : i32 {
      %mul3A_28 = arith.constant 640 : i32
      %mul3A_29 = arith.muli %arg1, %mul3A_28 : i32
      %mul3A_30 = arith.constant 16 : i32
      %mul3A_31 = arith.muli %scan3A_26, %mul3A_30 : i32
      %add3A_32 = arith.addi %mul3A_29, %mul3A_31 : i32
      "tpu.region"() ({
        %run_scoped3A = tpu.sem_alloc : memref<!tpu.dma_semaphore, #tpu.memory_space<semaphore_mem>>
        %dma_start3A = arith.constant 0 : i32
        %dma_start3A_34 = tpu.memref_slice %arg6[%add3A_32, %dma_start3A] : memref<10240x128xf32, #tpu.memory_space<vmem_shared>> -> memref<16x128xf32, #tpu.memory_space<vmem_shared>>
        %dma_start3A_35 = arith.constant 0 : i32
        %dma_start3A_36 = tpu.memref_slice %arg6[%add3A_32, %dma_start3A_35] : memref<10240x128xf32, #tpu.memory_space<vmem_shared>> -> memref<16x128xf32, #tpu.memory_space<vmem_shared>>
        tpu.enqueue_dma source(%arg10 : memref<16x128xf32, #tpu.memory_space<vmem>>) target(%dma_start3A_36 : memref<16x128xf32, #tpu.memory_space<vmem_shared>>) target_semaphore(%run_scoped3A : memref<!tpu.dma_semaphore, #tpu.memory_space<semaphore_mem>>)
        %dma_wait3A = arith.constant 0 : i32
        %dma_wait3A_37 = tpu.memref_slice %arg6[%add3A_32, %dma_wait3A] : memref<10240x128xf32, #tpu.memory_space<vmem_shared>> -> memref<16x128xf32, #tpu.memory_space<vmem_shared>>
        %dma_wait3A_38 = arith.constant 0 : i32
        %dma_wait3A_39 = tpu.memref_slice %arg6[%add3A_32, %dma_wait3A_38] : memref<10240x128xf32, #tpu.memory_space<vmem_shared>> -> memref<16x128xf32, #tpu.memory_space<vmem_shared>>
        tpu.wait_dma2 semaphore(%run_scoped3A : memref<!tpu.dma_semaphore, #tpu.memory_space<semaphore_mem>>) src(%arg10 : memref<16x128xf32, #tpu.memory_space<vmem>>) dst(%dma_wait3A_39 : memref<16x128xf32, #tpu.memory_space<vmem_shared>>)
        tpu.yield
      }) : () -> ()
      %scan3A_33 = arith.constant 0 : i32
      scf.yield %scan3A_33 : i32
    }
    %scan3A_13 = arith.constant 40 : i32
    %barrier3A = arith.constant 0 : index
    tpu.barrier barrier_id(%barrier3A)
    %scan3A_14 = arith.constant 0 : i32
    %scan3A_15 = arith.constant 0 : i32
    %scan3A_16 = arith.constant 79 : i32
    %scan3A_17 = arith.addi %scan3A_15, %scan3A_16 : i32
    %scan3A_18 = arith.constant 1 : i32
    %scan3A_19 = scf.for %scan3A_26 = %scan3A_15 to %scan3A_17 step %scan3A_18 iter_args(%scan3A_27 = %scan3A_14) -> (i32)  : i32 {
      %mul3A_28 = arith.constant 79 : i32
      %mul3A_29 = arith.muli %add3A, %mul3A_28 : i32
      %add3A_30 = arith.addi %mul3A_29, %scan3A_26 : i32
      "tpu.region"() ({
        %run_scoped3A = tpu.sem_alloc : memref<!tpu.dma_semaphore, #tpu.memory_space<semaphore_mem>>
        %dma_start3A_36 = arith.constant 0 : i32
        %dma_start3A_37 = tpu.memref_slice %arg3[%add3A_30, %dma_start3A_36] : memref<2528x128xi32, #tpu.memory_space<hbm>> -> memref<1x128xi32, #tpu.memory_space<hbm>>
        %dma_start3A_38 = tpu.memref_squeeze %dma_start3A_37 : memref<1x128xi32, #tpu.memory_space<hbm>> -> memref<128xi32, #tpu.memory_space<hbm>>
        %dma_start3A_39 = arith.constant 0 : i32
        %dma_start3A_40 = tpu.memref_slice %arg3[%add3A_30, %dma_start3A_39] : memref<2528x128xi32, #tpu.memory_space<hbm>> -> memref<1x128xi32, #tpu.memory_space<hbm>>
        %dma_start3A_41 = tpu.memref_squeeze %dma_start3A_40 : memref<1x128xi32, #tpu.memory_space<hbm>> -> memref<128xi32, #tpu.memory_space<hbm>>
        tpu.enqueue_dma source(%dma_start3A_41 : memref<128xi32, #tpu.memory_space<hbm>>) target(%arg7 : memref<128xi32, #tpu.memory_space<vmem>>) target_semaphore(%run_scoped3A : memref<!tpu.dma_semaphore, #tpu.memory_space<semaphore_mem>>)
        %dma_wait3A_42 = arith.constant 0 : i32
        %dma_wait3A_43 = tpu.memref_slice %arg3[%add3A_30, %dma_wait3A_42] : memref<2528x128xi32, #tpu.memory_space<hbm>> -> memref<1x128xi32, #tpu.memory_space<hbm>>
        %dma_wait3A_44 = tpu.memref_squeeze %dma_wait3A_43 : memref<1x128xi32, #tpu.memory_space<hbm>> -> memref<128xi32, #tpu.memory_space<hbm>>
        %dma_wait3A_45 = arith.constant 0 : i32
        %dma_wait3A_46 = tpu.memref_slice %arg3[%add3A_30, %dma_wait3A_45] : memref<2528x128xi32, #tpu.memory_space<hbm>> -> memref<1x128xi32, #tpu.memory_space<hbm>>
        %dma_wait3A_47 = tpu.memref_squeeze %dma_wait3A_46 : memref<1x128xi32, #tpu.memory_space<hbm>> -> memref<128xi32, #tpu.memory_space<hbm>>
        tpu.wait_dma2 semaphore(%run_scoped3A : memref<!tpu.dma_semaphore, #tpu.memory_space<semaphore_mem>>) src(%dma_wait3A_47 : memref<128xi32, #tpu.memory_space<hbm>>) dst(%arg7 : memref<128xi32, #tpu.memory_space<vmem>>)
        tpu.yield
      }) : () -> ()
      "tpu.region"() ({
        %run_scoped3A = tpu.sem_alloc : memref<!tpu.dma_semaphore, #tpu.memory_space<semaphore_mem>>
        %dma_start3A_36 = arith.constant 0 : i32
        %dma_start3A_37 = tpu.memref_slice %arg4[%add3A_30, %dma_start3A_36] : memref<2528x128xi32, #tpu.memory_space<hbm>> -> memref<1x128xi32, #tpu.memory_space<hbm>>
        %dma_start3A_38 = tpu.memref_squeeze %dma_start3A_37 : memref<1x128xi32, #tpu.memory_space<hbm>> -> memref<128xi32, #tpu.memory_space<hbm>>
        %dma_start3A_39 = arith.constant 0 : i32
        %dma_start3A_40 = tpu.memref_slice %arg4[%add3A_30, %dma_start3A_39] : memref<2528x128xi32, #tpu.memory_space<hbm>> -> memref<1x128xi32, #tpu.memory_space<hbm>>
        %dma_start3A_41 = tpu.memref_squeeze %dma_start3A_40 : memref<1x128xi32, #tpu.memory_space<hbm>> -> memref<128xi32, #tpu.memory_space<hbm>>
        tpu.enqueue_dma source(%dma_start3A_41 : memref<128xi32, #tpu.memory_space<hbm>>) target(%arg8 : memref<128xi32, #tpu.memory_space<vmem>>) target_semaphore(%run_scoped3A : memref<!tpu.dma_semaphore, #tpu.memory_space<semaphore_mem>>)
        %dma_wait3A_42 = arith.constant 0 : i32
        %dma_wait3A_43 = tpu.memref_slice %arg4[%add3A_30, %dma_wait3A_42] : memref<2528x128xi32, #tpu.memory_space<hbm>> -> memref<1x128xi32, #tpu.memory_space<hbm>>
        %dma_wait3A_44 = tpu.memref_squeeze %dma_wait3A_43 : memref<1x128xi32, #tpu.memory_space<hbm>> -> memref<128xi32, #tpu.memory_space<hbm>>
        %dma_wait3A_45 = arith.constant 0 : i32
        %dma_wait3A_46 = tpu.memref_slice %arg4[%add3A_30, %dma_wait3A_45] : memref<2528x128xi32, #tpu.memory_space<hbm>> -> memref<1x128xi32, #tpu.memory_space<hbm>>
        %dma_wait3A_47 = tpu.memref_squeeze %dma_wait3A_46 : memref<1x128xi32, #tpu.memory_space<hbm>> -> memref<128xi32, #tpu.memory_space<hbm>>
        tpu.wait_dma2 semaphore(%run_scoped3A : memref<!tpu.dma_semaphore, #tpu.memory_space<semaphore_mem>>) src(%dma_wait3A_47 : memref<128xi32, #tpu.memory_space<hbm>>) dst(%arg8 : memref<128xi32, #tpu.memory_space<vmem>>)
        tpu.yield
      }) : () -> ()
      %dma_start3A = arith.constant 0 : i32
      %dma_start3A_31 = arith.constant 0 : i32
      %dma_start3A_32 = tpu.memref_slice %arg2[%dma_start3A, %dma_start3A_31] : memref<10000x128xf32, #tpu.memory_space<hbm>> -> memref<10000x128xf32, #tpu.memory_space<hbm>>
      tpu.enqueue_indirect_dma source(%dma_start3A_32 : memref<10000x128xf32, #tpu.memory_space<hbm>>) target(%arg9 : memref<128x128xf32, #tpu.memory_space<vmem>>) offsets(%arg7 : memref<128xi32, #tpu.memory_space<vmem>>) semaphore(%arg11 : memref<!tpu.dma_semaphore, #tpu.memory_space<semaphore_mem>>)
      %dma_wait3A = arith.constant 0 : i32
      %dma_wait3A_33 = arith.constant 0 : i32
      %dma_wait3A_34 = tpu.memref_slice %arg2[%dma_wait3A, %dma_wait3A_33] : memref<10000x128xf32, #tpu.memory_space<hbm>> -> memref<10000x128xf32, #tpu.memory_space<hbm>>
      tpu.wait_indirect_dma semaphore(%arg11 : memref<!tpu.dma_semaphore, #tpu.memory_space<semaphore_mem>>) src(%dma_wait3A_34 : memref<10000x128xf32, #tpu.memory_space<hbm>>) dst(%arg9 : memref<128x128xf32, #tpu.memory_space<vmem>>)
      "tpu.region"() ({
        %run_scoped3A = tpu.sem_alloc : memref<!tpu.dma_semaphore, #tpu.memory_space<semaphore_mem>>
        %dma_start3A_36 = arith.constant 0 : i32
        %dma_start3A_37 = arith.constant 0 : i32
        %dma_start3A_38 = tpu.memref_slice %arg6[%dma_start3A_36, %dma_start3A_37] : memref<10240x128xf32, #tpu.memory_space<vmem_shared>> -> memref<10240x128xf32, #tpu.memory_space<vmem_shared>>
        tpu.enqueue_indirect_dma source(%arg9 : memref<128x128xf32, #tpu.memory_space<vmem>>) target(%dma_start3A_38 : memref<10240x128xf32, #tpu.memory_space<vmem_shared>>) offsets(%arg8 : memref<128xi32, #tpu.memory_space<vmem>>) semaphore(%run_scoped3A : memref<!tpu.dma_semaphore, #tpu.memory_space<semaphore_mem>>) {add = true}
        %dma_wait3A_39 = arith.constant 0 : i32
        %dma_wait3A_40 = arith.constant 0 : i32
        %dma_wait3A_41 = tpu.memref_slice %arg6[%dma_wait3A_39, %dma_wait3A_40] : memref<10240x128xf32, #tpu.memory_space<vmem_shared>> -> memref<10240x128xf32, #tpu.memory_space<vmem_shared>>
        tpu.wait_indirect_dma semaphore(%run_scoped3A : memref<!tpu.dma_semaphore, #tpu.memory_space<semaphore_mem>>) src(%arg9 : memref<128x128xf32, #tpu.memory_space<vmem>>) dst(%dma_wait3A_41 : memref<10240x128xf32, #tpu.memory_space<vmem_shared>>)
        tpu.yield
      }) : () -> ()
      %scan3A_35 = arith.constant 0 : i32
      scf.yield %scan3A_35 : i32
    }
    %scan3A_20 = arith.constant 79 : i32
    %barrier3A_21 = arith.constant 0 : index
    tpu.barrier barrier_id(%barrier3A_21)
    %mul3A_22 = arith.constant 640 : i32
    %mul3A_23 = arith.muli %arg1, %mul3A_22 : i32
    %mul3A_24 = arith.constant 640 : i32
    %mul3A_25 = arith.muli %arg1, %mul3A_24 : i32
    "tpu.region"() ({
      %run_scoped3A = tpu.sem_alloc : memref<!tpu.dma_semaphore, #tpu.memory_space<semaphore_mem>>
      %dma_start3A = arith.constant 0 : i32
      %dma_start3A_26 = tpu.memref_slice %arg5[%arg0, %mul3A_25, %dma_start3A] : memref<2x10240x128xf32, #tpu.memory_space<hbm>> -> memref<1x640x128xf32, #tpu.memory_space<hbm>>
      %dma_start3A_27 = tpu.memref_squeeze %dma_start3A_26 : memref<1x640x128xf32, #tpu.memory_space<hbm>> -> memref<640x128xf32, #tpu.memory_space<hbm>>
      %dma_start3A_28 = arith.constant 0 : i32
      %dma_start3A_29 = tpu.memref_slice %arg6[%mul3A_23, %dma_start3A_28] : memref<10240x128xf32, #tpu.memory_space<vmem_shared>> -> memref<640x128xf32, #tpu.memory_space<vmem_shared>>
      tpu.enqueue_dma source(%dma_start3A_29 : memref<640x128xf32, #tpu.memory_space<vmem_shared>>) target(%dma_start3A_27 : memref<640x128xf32, #tpu.memory_space<hbm>>) target_semaphore(%run_scoped3A : memref<!tpu.dma_semaphore, #tpu.memory_space<semaphore_mem>>)
      %dma_wait3A = arith.constant 0 : i32
      %dma_wait3A_30 = tpu.memref_slice %arg5[%arg0, %mul3A_25, %dma_wait3A] : memref<2x10240x128xf32, #tpu.memory_space<hbm>> -> memref<1x640x128xf32, #tpu.memory_space<hbm>>
      %dma_wait3A_31 = tpu.memref_squeeze %dma_wait3A_30 : memref<1x640x128xf32, #tpu.memory_space<hbm>> -> memref<640x128xf32, #tpu.memory_space<hbm>>
      %dma_wait3A_32 = arith.constant 0 : i32
      %dma_wait3A_33 = tpu.memref_slice %arg6[%mul3A_23, %dma_wait3A_32] : memref<10240x128xf32, #tpu.memory_space<vmem_shared>> -> memref<640x128xf32, #tpu.memory_space<vmem_shared>>
      tpu.wait_dma2 semaphore(%run_scoped3A : memref<!tpu.dma_semaphore, #tpu.memory_space<semaphore_mem>>) src(%dma_wait3A_33 : memref<640x128xf32, #tpu.memory_space<vmem_shared>>) dst(%dma_wait3A_31 : memref<640x128xf32, #tpu.memory_space<hbm>>)
      tpu.yield
    }) : () -> ()
    return
  }
}

#map = affine_map<(d0, d1) -> (0, 0)>
module attributes {stable_mosaic.version = 14 : i64} {
  func.func @deg_kernel(%arg0: i32, %arg1: i32, %arg2: memref<2528x128xi32, #tpu.memory_space<hbm>>, %arg3: memref<32x10240xf32, #tpu.memory_space<hbm>>, %arg4: memref<10240xf32, #tpu.memory_space<vmem>>, %arg5: memref<128xi32, #tpu.memory_space<vmem>>) attributes {dimension_semantics = [#tpu.dimension_semantics<core_parallel>, #tpu.dimension_semantics<subcore_parallel>], iteration_bounds = array<i64: 2, 16>, scalar_prefetch = 0 : i64, scratch_operands = 2 : i64, tpu.core_type = #tpu.core_type<sc_vector_subcore>, window_params = [{transform_indices = #map}, {transform_indices = #map}]} {
    %mul3A = arith.constant 16 : i32
    %mul3A_0 = arith.muli %arg0, %mul3A : i32
    %add3A = arith.addi %mul3A_0, %arg1 : i32
    %broadcast_in_dim3A = arith.constant 1.000000e+00 : f32
    %broadcast_in_dim3A_1 = vector.broadcast %broadcast_in_dim3A : f32 to vector<16xf32>
    %scan3A = arith.constant 0 : i32
    %scan3A_2 = arith.constant 0 : i32
    %scan3A_3 = arith.constant 640 : i32
    %scan3A_4 = arith.addi %scan3A_2, %scan3A_3 : i32
    %scan3A_5 = arith.constant 1 : i32
    %scan3A_6 = scf.for %scan3A_15 = %scan3A_2 to %scan3A_4 step %scan3A_5 iter_args(%scan3A_16 = %scan3A) -> (i32)  : i32 {
      %broadcast_in_dim3A_17 = arith.constant 0.000000e+00 : f32
      %broadcast_in_dim3A_18 = vector.broadcast %broadcast_in_dim3A_17 : f32 to vector<16xf32>
      %mul3A_19 = arith.constant 16 : i32
      %mul3A_20 = arith.muli %scan3A_15, %mul3A_19 : i32
      %swap3A = arith.index_cast %mul3A_20 : i32 to index
      %swap3A_21 = tpu.vector_load %arg4[%swap3A] {strides = array<i32>} : memref<10240xf32, #tpu.memory_space<vmem>>, vector<16xf32>,
      tpu.vector_store %arg4[%swap3A], %broadcast_in_dim3A_18 {strides = array<i32>} : memref<10240xf32, #tpu.memory_space<vmem>>, vector<16xf32>,
      %scan3A_22 = arith.constant 0 : i32
      scf.yield %scan3A_22 : i32
    }
    %scan3A_7 = arith.constant 640 : i32
    %scan3A_8 = arith.constant 0 : i32
    %scan3A_9 = arith.constant 0 : i32
    %scan3A_10 = arith.constant 79 : i32
    %scan3A_11 = arith.addi %scan3A_9, %scan3A_10 : i32
    %scan3A_12 = arith.constant 1 : i32
    %scan3A_13 = scf.for %scan3A_15 = %scan3A_9 to %scan3A_11 step %scan3A_12 iter_args(%scan3A_16 = %scan3A_8) -> (i32)  : i32 {
      %mul3A_17 = arith.constant 79 : i32
      %mul3A_18 = arith.muli %add3A, %mul3A_17 : i32
      %add3A_19 = arith.addi %mul3A_18, %scan3A_15 : i32
      "tpu.region"() ({
        %run_scoped3A = tpu.sem_alloc : memref<!tpu.dma_semaphore, #tpu.memory_space<semaphore_mem>>
        %dma_start3A = arith.constant 0 : i32
        %dma_start3A_28 = tpu.memref_slice %arg2[%add3A_19, %dma_start3A] : memref<2528x128xi32, #tpu.memory_space<hbm>> -> memref<1x128xi32, #tpu.memory_space<hbm>>
        %dma_start3A_29 = tpu.memref_squeeze %dma_start3A_28 : memref<1x128xi32, #tpu.memory_space<hbm>> -> memref<128xi32, #tpu.memory_space<hbm>>
        %dma_start3A_30 = arith.constant 0 : i32
        %dma_start3A_31 = tpu.memref_slice %arg2[%add3A_19, %dma_start3A_30] : memref<2528x128xi32, #tpu.memory_space<hbm>> -> memref<1x128xi32, #tpu.memory_space<hbm>>
        %dma_start3A_32 = tpu.memref_squeeze %dma_start3A_31 : memref<1x128xi32, #tpu.memory_space<hbm>> -> memref<128xi32, #tpu.memory_space<hbm>>
        tpu.enqueue_dma source(%dma_start3A_32 : memref<128xi32, #tpu.memory_space<hbm>>) target(%arg5 : memref<128xi32, #tpu.memory_space<vmem>>) target_semaphore(%run_scoped3A : memref<!tpu.dma_semaphore, #tpu.memory_space<semaphore_mem>>)
        %dma_wait3A = arith.constant 0 : i32
        %dma_wait3A_33 = tpu.memref_slice %arg2[%add3A_19, %dma_wait3A] : memref<2528x128xi32, #tpu.memory_space<hbm>> -> memref<1x128xi32, #tpu.memory_space<hbm>>
        %dma_wait3A_34 = tpu.memref_squeeze %dma_wait3A_33 : memref<1x128xi32, #tpu.memory_space<hbm>> -> memref<128xi32, #tpu.memory_space<hbm>>
        %dma_wait3A_35 = arith.constant 0 : i32
        %dma_wait3A_36 = tpu.memref_slice %arg2[%add3A_19, %dma_wait3A_35] : memref<2528x128xi32, #tpu.memory_space<hbm>> -> memref<1x128xi32, #tpu.memory_space<hbm>>
        %dma_wait3A_37 = tpu.memref_squeeze %dma_wait3A_36 : memref<1x128xi32, #tpu.memory_space<hbm>> -> memref<128xi32, #tpu.memory_space<hbm>>
        tpu.wait_dma2 semaphore(%run_scoped3A : memref<!tpu.dma_semaphore, #tpu.memory_space<semaphore_mem>>) src(%dma_wait3A_37 : memref<128xi32, #tpu.memory_space<hbm>>) dst(%arg5 : memref<128xi32, #tpu.memory_space<vmem>>)
        tpu.yield
      }) : () -> ()
      %scan3A_20 = arith.constant 0 : i32
      %scan3A_21 = arith.constant 0 : i32
      %scan3A_22 = arith.constant 8 : i32
      %scan3A_23 = arith.addi %scan3A_21, %scan3A_22 : i32
      %scan3A_24 = arith.constant 1 : i32
      %scan3A_25 = scf.for %scan3A_28 = %scan3A_21 to %scan3A_23 step %scan3A_24 iter_args(%scan3A_29 = %scan3A_20) -> (i32)  : i32 {
        %mul3A_30 = arith.constant 16 : i32
        %mul3A_31 = arith.muli %scan3A_28, %mul3A_30 : i32
        %get3A = arith.index_cast %mul3A_31 : i32 to index
        %get3A_32 = tpu.vector_load %arg5[%get3A] {strides = array<i32>} : memref<128xi32, #tpu.memory_space<vmem>>, vector<16xi32>,
        tpu.vector_store_idx %arg4[%get3A_32], %broadcast_in_dim3A_1 {add = true} : memref<10240xf32, #tpu.memory_space<vmem>>[vector<16xi32>], vector<16xf32>,
        %scan3A_33 = arith.constant 0 : i32
        scf.yield %scan3A_33 : i32
      }
      %scan3A_26 = arith.constant 8 : i32
      %scan3A_27 = arith.constant 0 : i32
      scf.yield %scan3A_27 : i32
    }
    %scan3A_14 = arith.constant 79 : i32
    "tpu.region"() ({
      %run_scoped3A = tpu.sem_alloc : memref<!tpu.dma_semaphore, #tpu.memory_space<semaphore_mem>>
      %dma_start3A = arith.constant 0 : i32
      %dma_start3A_15 = tpu.memref_slice %arg3[%add3A, %dma_start3A] : memref<32x10240xf32, #tpu.memory_space<hbm>> -> memref<1x10240xf32, #tpu.memory_space<hbm>>
      %dma_start3A_16 = tpu.memref_squeeze %dma_start3A_15 : memref<1x10240xf32, #tpu.memory_space<hbm>> -> memref<10240xf32, #tpu.memory_space<hbm>>
      %dma_start3A_17 = arith.constant 0 : i32
      %dma_start3A_18 = tpu.memref_slice %arg3[%add3A, %dma_start3A_17] : memref<32x10240xf32, #tpu.memory_space<hbm>> -> memref<1x10240xf32, #tpu.memory_space<hbm>>
      %dma_start3A_19 = tpu.memref_squeeze %dma_start3A_18 : memref<1x10240xf32, #tpu.memory_space<hbm>> -> memref<10240xf32, #tpu.memory_space<hbm>>
      tpu.enqueue_dma source(%arg4 : memref<10240xf32, #tpu.memory_space<vmem>>) target(%dma_start3A_19 : memref<10240xf32, #tpu.memory_space<hbm>>) target_semaphore(%run_scoped3A : memref<!tpu.dma_semaphore, #tpu.memory_space<semaphore_mem>>)
      %dma_wait3A = arith.constant 0 : i32
      %dma_wait3A_20 = tpu.memref_slice %arg3[%add3A, %dma_wait3A] : memref<32x10240xf32, #tpu.memory_space<hbm>> -> memref<1x10240xf32, #tpu.memory_space<hbm>>
      %dma_wait3A_21 = tpu.memref_squeeze %dma_wait3A_20 : memref<1x10240xf32, #tpu.memory_space<hbm>> -> memref<10240xf32, #tpu.memory_space<hbm>>
      %dma_wait3A_22 = arith.constant 0 : i32
      %dma_wait3A_23 = tpu.memref_slice %arg3[%add3A, %dma_wait3A_22] : memref<32x10240xf32, #tpu.memory_space<hbm>> -> memref<1x10240xf32, #tpu.memory_space<hbm>>
      %dma_wait3A_24 = tpu.memref_squeeze %dma_wait3A_23 : memref<1x10240xf32, #tpu.memory_space<hbm>> -> memref<10240xf32, #tpu.memory_space<hbm>>
      tpu.wait_dma2 semaphore(%run_scoped3A : memref<!tpu.dma_semaphore, #tpu.memory_space<semaphore_mem>>) src(%arg4 : memref<10240xf32, #tpu.memory_space<vmem>>) dst(%dma_wait3A_24 : memref<10240xf32, #tpu.memory_space<hbm>>)
      tpu.yield
    }) : () -> ()
    return
  }
}

#map = affine_map<(d0, d1) -> (0, 0)>
#map1 = affine_map<(d0, d1) -> (0)>
module attributes {stable_mosaic.version = 14 : i64} {
  func.func @query_kernel(%arg0: i32, %arg1: i32, %arg2: memref<10000x128xf32, #tpu.memory_space<hbm>>, %arg3: memref<800x128xi32, #tpu.memory_space<hbm>>, %arg4: memref<800x128xi32, #tpu.memory_space<hbm>>, %arg5: memref<10240xi32, #tpu.memory_space<hbm>>, %arg6: memref<10240xi32, #tpu.memory_space<hbm>>, %arg7: memref<102400x128xf32, #tpu.memory_space<hbm>>, %arg8: memref<102400x128xf32, #tpu.memory_space<hbm>>, %arg9: memref<102400xf32, #tpu.memory_space<hbm>>, %arg10: memref<102400xf32, #tpu.memory_space<hbm>>, %arg11: memref<128xi32, #tpu.memory_space<vmem>>, %arg12: memref<128xi32, #tpu.memory_space<vmem>>, %arg13: memref<128x128xf32, #tpu.memory_space<vmem>>, %arg14: memref<128x128xf32, #tpu.memory_space<vmem>>, %arg15: memref<10240xi32, #tpu.memory_space<vmem>>, %arg16: memref<10240xi32, #tpu.memory_space<vmem>>, %arg17: memref<128xf32, #tpu.memory_space<vmem>>, %arg18: memref<128xf32, #tpu.memory_space<vmem>>, %arg19: memref<!tpu.dma_semaphore, #tpu.memory_space<semaphore_mem>>, %arg20: memref<!tpu.dma_semaphore, #tpu.memory_space<semaphore_mem>>) attributes {dimension_semantics = [#tpu.dimension_semantics<core_parallel>, #tpu.dimension_semantics<subcore_parallel>], iteration_bounds = array<i64: 2, 16>, scalar_prefetch = 0 : i64, scratch_operands = 10 : i64, tpu.core_type = #tpu.core_type<sc_vector_subcore>, window_params = [{transform_indices = #map}, {transform_indices = #map}, {transform_indices = #map}, {transform_indices = #map1}, {transform_indices = #map1}, {transform_indices = #map}, {transform_indices = #map}, {transform_indices = #map1}, {transform_indices = #map1}]} {
    %mul3A = arith.constant 16 : i32
    %mul3A_0 = arith.muli %arg0, %mul3A : i32
    %add3A = arith.addi %mul3A_0, %arg1 : i32
    "tpu.region"() ({
      %run_scoped3A = tpu.sem_alloc : memref<!tpu.dma_semaphore, #tpu.memory_space<semaphore_mem>>
      tpu.enqueue_dma source(%arg5 : memref<10240xi32, #tpu.memory_space<hbm>>) target(%arg15 : memref<10240xi32, #tpu.memory_space<vmem>>) target_semaphore(%run_scoped3A : memref<!tpu.dma_semaphore, #tpu.memory_space<semaphore_mem>>)
      tpu.wait_dma2 semaphore(%run_scoped3A : memref<!tpu.dma_semaphore, #tpu.memory_space<semaphore_mem>>) src(%arg5 : memref<10240xi32, #tpu.memory_space<hbm>>) dst(%arg15 : memref<10240xi32, #tpu.memory_space<vmem>>)
      tpu.yield
    }) : () -> ()
    "tpu.region"() ({
      %run_scoped3A = tpu.sem_alloc : memref<!tpu.dma_semaphore, #tpu.memory_space<semaphore_mem>>
      tpu.enqueue_dma source(%arg6 : memref<10240xi32, #tpu.memory_space<hbm>>) target(%arg16 : memref<10240xi32, #tpu.memory_space<vmem>>) target_semaphore(%run_scoped3A : memref<!tpu.dma_semaphore, #tpu.memory_space<semaphore_mem>>)
      tpu.wait_dma2 semaphore(%run_scoped3A : memref<!tpu.dma_semaphore, #tpu.memory_space<semaphore_mem>>) src(%arg6 : memref<10240xi32, #tpu.memory_space<hbm>>) dst(%arg16 : memref<10240xi32, #tpu.memory_space<vmem>>)
      tpu.yield
    }) : () -> ()
    %scan3A = arith.constant 0 : i32
    %scan3A_1 = arith.constant 0 : i32
    %scan3A_2 = arith.constant 25 : i32
    %scan3A_3 = arith.addi %scan3A_1, %scan3A_2 : i32
    %scan3A_4 = arith.constant 1 : i32
    %scan3A_5 = scf.for %scan3A_7 = %scan3A_1 to %scan3A_3 step %scan3A_4 iter_args(%scan3A_8 = %scan3A) -> (i32)  : i32 {
      %mul3A_9 = arith.constant 25 : i32
      %mul3A_10 = arith.muli %add3A, %mul3A_9 : i32
      %add3A_11 = arith.addi %mul3A_10, %scan3A_7 : i32
      "tpu.region"() ({
        %run_scoped3A = tpu.sem_alloc : memref<!tpu.dma_semaphore, #tpu.memory_space<semaphore_mem>>
        %dma_start3A_38 = arith.constant 0 : i32
        %dma_start3A_39 = tpu.memref_slice %arg3[%add3A_11, %dma_start3A_38] : memref<800x128xi32, #tpu.memory_space<hbm>> -> memref<1x128xi32, #tpu.memory_space<hbm>>
        %dma_start3A_40 = tpu.memref_squeeze %dma_start3A_39 : memref<1x128xi32, #tpu.memory_space<hbm>> -> memref<128xi32, #tpu.memory_space<hbm>>
        %dma_start3A_41 = arith.constant 0 : i32
        %dma_start3A_42 = tpu.memref_slice %arg3[%add3A_11, %dma_start3A_41] : memref<800x128xi32, #tpu.memory_space<hbm>> -> memref<1x128xi32, #tpu.memory_space<hbm>>
        %dma_start3A_43 = tpu.memref_squeeze %dma_start3A_42 : memref<1x128xi32, #tpu.memory_space<hbm>> -> memref<128xi32, #tpu.memory_space<hbm>>
        tpu.enqueue_dma source(%dma_start3A_43 : memref<128xi32, #tpu.memory_space<hbm>>) target(%arg11 : memref<128xi32, #tpu.memory_space<vmem>>) target_semaphore(%run_scoped3A : memref<!tpu.dma_semaphore, #tpu.memory_space<semaphore_mem>>)
        %dma_wait3A_44 = arith.constant 0 : i32
        %dma_wait3A_45 = tpu.memref_slice %arg3[%add3A_11, %dma_wait3A_44] : memref<800x128xi32, #tpu.memory_space<hbm>> -> memref<1x128xi32, #tpu.memory_space<hbm>>
        %dma_wait3A_46 = tpu.memref_squeeze %dma_wait3A_45 : memref<1x128xi32, #tpu.memory_space<hbm>> -> memref<128xi32, #tpu.memory_space<hbm>>
        %dma_wait3A_47 = arith.constant 0 : i32
        %dma_wait3A_48 = tpu.memref_slice %arg3[%add3A_11, %dma_wait3A_47] : memref<800x128xi32, #tpu.memory_space<hbm>> -> memref<1x128xi32, #tpu.memory_space<hbm>>
        %dma_wait3A_49 = tpu.memref_squeeze %dma_wait3A_48 : memref<1x128xi32, #tpu.memory_space<hbm>> -> memref<128xi32, #tpu.memory_space<hbm>>
        tpu.wait_dma2 semaphore(%run_scoped3A : memref<!tpu.dma_semaphore, #tpu.memory_space<semaphore_mem>>) src(%dma_wait3A_49 : memref<128xi32, #tpu.memory_space<hbm>>) dst(%arg11 : memref<128xi32, #tpu.memory_space<vmem>>)
        tpu.yield
      }) : () -> ()
      "tpu.region"() ({
        %run_scoped3A = tpu.sem_alloc : memref<!tpu.dma_semaphore, #tpu.memory_space<semaphore_mem>>
        %dma_start3A_38 = arith.constant 0 : i32
        %dma_start3A_39 = tpu.memref_slice %arg4[%add3A_11, %dma_start3A_38] : memref<800x128xi32, #tpu.memory_space<hbm>> -> memref<1x128xi32, #tpu.memory_space<hbm>>
        %dma_start3A_40 = tpu.memref_squeeze %dma_start3A_39 : memref<1x128xi32, #tpu.memory_space<hbm>> -> memref<128xi32, #tpu.memory_space<hbm>>
        %dma_start3A_41 = arith.constant 0 : i32
        %dma_start3A_42 = tpu.memref_slice %arg4[%add3A_11, %dma_start3A_41] : memref<800x128xi32, #tpu.memory_space<hbm>> -> memref<1x128xi32, #tpu.memory_space<hbm>>
        %dma_start3A_43 = tpu.memref_squeeze %dma_start3A_42 : memref<1x128xi32, #tpu.memory_space<hbm>> -> memref<128xi32, #tpu.memory_space<hbm>>
        tpu.enqueue_dma source(%dma_start3A_43 : memref<128xi32, #tpu.memory_space<hbm>>) target(%arg12 : memref<128xi32, #tpu.memory_space<vmem>>) target_semaphore(%run_scoped3A : memref<!tpu.dma_semaphore, #tpu.memory_space<semaphore_mem>>)
        %dma_wait3A_44 = arith.constant 0 : i32
        %dma_wait3A_45 = tpu.memref_slice %arg4[%add3A_11, %dma_wait3A_44] : memref<800x128xi32, #tpu.memory_space<hbm>> -> memref<1x128xi32, #tpu.memory_space<hbm>>
        %dma_wait3A_46 = tpu.memref_squeeze %dma_wait3A_45 : memref<1x128xi32, #tpu.memory_space<hbm>> -> memref<128xi32, #tpu.memory_space<hbm>>
        %dma_wait3A_47 = arith.constant 0 : i32
        %dma_wait3A_48 = tpu.memref_slice %arg4[%add3A_11, %dma_wait3A_47] : memref<800x128xi32, #tpu.memory_space<hbm>> -> memref<1x128xi32, #tpu.memory_space<hbm>>
        %dma_wait3A_49 = tpu.memref_squeeze %dma_wait3A_48 : memref<1x128xi32, #tpu.memory_space<hbm>> -> memref<128xi32, #tpu.memory_space<hbm>>
        tpu.wait_dma2 semaphore(%run_scoped3A : memref<!tpu.dma_semaphore, #tpu.memory_space<semaphore_mem>>) src(%dma_wait3A_49 : memref<128xi32, #tpu.memory_space<hbm>>) dst(%arg12 : memref<128xi32, #tpu.memory_space<vmem>>)
        tpu.yield
      }) : () -> ()
      %dma_start3A = arith.constant 0 : i32
      %dma_start3A_12 = arith.constant 0 : i32
      %dma_start3A_13 = tpu.memref_slice %arg2[%dma_start3A, %dma_start3A_12] : memref<10000x128xf32, #tpu.memory_space<hbm>> -> memref<10000x128xf32, #tpu.memory_space<hbm>>
      tpu.enqueue_indirect_dma source(%dma_start3A_13 : memref<10000x128xf32, #tpu.memory_space<hbm>>) target(%arg13 : memref<128x128xf32, #tpu.memory_space<vmem>>) offsets(%arg11 : memref<128xi32, #tpu.memory_space<vmem>>) semaphore(%arg19 : memref<!tpu.dma_semaphore, #tpu.memory_space<semaphore_mem>>)
      %dma_start3A_14 = arith.constant 0 : i32
      %dma_start3A_15 = arith.constant 0 : i32
      %dma_start3A_16 = tpu.memref_slice %arg2[%dma_start3A_14, %dma_start3A_15] : memref<10000x128xf32, #tpu.memory_space<hbm>> -> memref<10000x128xf32, #tpu.memory_space<hbm>>
      tpu.enqueue_indirect_dma source(%dma_start3A_16 : memref<10000x128xf32, #tpu.memory_space<hbm>>) target(%arg14 : memref<128x128xf32, #tpu.memory_space<vmem>>) offsets(%arg12 : memref<128xi32, #tpu.memory_space<vmem>>) semaphore(%arg20 : memref<!tpu.dma_semaphore, #tpu.memory_space<semaphore_mem>>)
      %scan3A_17 = arith.constant 0 : i32
      %scan3A_18 = arith.constant 0 : i32
      %scan3A_19 = arith.constant 8 : i32
      %scan3A_20 = arith.addi %scan3A_18, %scan3A_19 : i32
      %scan3A_21 = arith.constant 1 : i32
      %scan3A_22 = scf.for %scan3A_38 = %scan3A_18 to %scan3A_20 step %scan3A_21 iter_args(%scan3A_39 = %scan3A_17) -> (i32)  : i32 {
        %mul3A_40 = arith.constant 16 : i32
        %mul3A_41 = arith.muli %scan3A_38, %mul3A_40 : i32
        %get3A = arith.index_cast %mul3A_41 : i32 to index
        %get3A_42 = tpu.vector_load %arg11[%get3A] {strides = array<i32>} : memref<128xi32, #tpu.memory_space<vmem>>, vector<16xi32>,
        %mul3A_43 = arith.constant 16 : i32
        %mul3A_44 = arith.muli %scan3A_38, %mul3A_43 : i32
        %get3A_45 = arith.index_cast %mul3A_44 : i32 to index
        %get3A_46 = tpu.vector_load %arg12[%get3A_45] {strides = array<i32>} : memref<128xi32, #tpu.memory_space<vmem>>, vector<16xi32>,
        %gather3A = tpu.vector_load_idx %arg15[%get3A_42] : memref<10240xi32, #tpu.memory_space<vmem>>[vector<16xi32>], vector<16xi32>,
        %gather3A_47 = tpu.vector_load_idx %arg15[%get3A_46] : memref<10240xi32, #tpu.memory_space<vmem>>[vector<16xi32>], vector<16xi32>,
        %sub3A = arith.subi %gather3A_47, %gather3A : vector<16xi32>
        %convert_element_type3A = arith.sitofp %sub3A : vector<16xi32> to vector<16xf32>
        %mul3A_48 = arith.constant 16 : i32
        %mul3A_49 = arith.muli %scan3A_38, %mul3A_48 : i32
        %swap3A = arith.index_cast %mul3A_49 : i32 to index
        %swap3A_50 = tpu.vector_load %arg17[%swap3A] {strides = array<i32>} : memref<128xf32, #tpu.memory_space<vmem>>, vector<16xf32>,
        tpu.vector_store %arg17[%swap3A], %convert_element_type3A {strides = array<i32>} : memref<128xf32, #tpu.memory_space<vmem>>, vector<16xf32>,
        %gather3A_51 = tpu.vector_load_idx %arg16[%get3A_42] : memref<10240xi32, #tpu.memory_space<vmem>>[vector<16xi32>], vector<16xi32>,
        %gather3A_52 = tpu.vector_load_idx %arg16[%get3A_46] : memref<10240xi32, #tpu.memory_space<vmem>>[vector<16xi32>], vector<16xi32>,
        %eq3A = arith.cmpi eq, %gather3A_51, %gather3A_52 : vector<16xi32>
        %jit3A = arith.constant 1.000000e+00 : f32
        %jit3A_53 = arith.constant 0.000000e+00 : f32
        %broadcast_in_dim3A = vector.broadcast %jit3A : f32 to vector<16xf32>
        %broadcast_in_dim3A_54 = vector.broadcast %jit3A_53 : f32 to vector<16xf32>
        %select_n3A = arith.select %eq3A, %broadcast_in_dim3A, %broadcast_in_dim3A_54 : vector<16xi1>, vector<16xf32>
        %mul3A_55 = arith.constant 16 : i32
        %mul3A_56 = arith.muli %scan3A_38, %mul3A_55 : i32
        %swap3A_57 = arith.index_cast %mul3A_56 : i32 to index
        %swap3A_58 = tpu.vector_load %arg18[%swap3A_57] {strides = array<i32>} : memref<128xf32, #tpu.memory_space<vmem>>, vector<16xf32>,
        tpu.vector_store %arg18[%swap3A_57], %select_n3A {strides = array<i32>} : memref<128xf32, #tpu.memory_space<vmem>>, vector<16xf32>,
        %scan3A_59 = arith.constant 0 : i32
        scf.yield %scan3A_59 : i32
      }
      %scan3A_23 = arith.constant 8 : i32
      %mul3A_24 = arith.constant 128 : i32
      %mul3A_25 = arith.muli %add3A_11, %mul3A_24 : i32
      "tpu.region"() ({
        %run_scoped3A = tpu.sem_alloc : memref<!tpu.dma_semaphore, #tpu.memory_space<semaphore_mem>>
        %dma_start3A_38 = tpu.memref_slice %arg9[%mul3A_25] : memref<102400xf32, #tpu.memory_space<hbm>> -> memref<128xf32, #tpu.memory_space<hbm>>
        %dma_start3A_39 = tpu.memref_slice %arg9[%mul3A_25] : memref<102400xf32, #tpu.memory_space<hbm>> -> memref<128xf32, #tpu.memory_space<hbm>>
        tpu.enqueue_dma source(%arg17 : memref<128xf32, #tpu.memory_space<vmem>>) target(%dma_start3A_39 : memref<128xf32, #tpu.memory_space<hbm>>) target_semaphore(%run_scoped3A : memref<!tpu.dma_semaphore, #tpu.memory_space<semaphore_mem>>)
        %dma_wait3A_40 = tpu.memref_slice %arg9[%mul3A_25] : memref<102400xf32, #tpu.memory_space<hbm>> -> memref<128xf32, #tpu.memory_space<hbm>>
        %dma_wait3A_41 = tpu.memref_slice %arg9[%mul3A_25] : memref<102400xf32, #tpu.memory_space<hbm>> -> memref<128xf32, #tpu.memory_space<hbm>>
        tpu.wait_dma2 semaphore(%run_scoped3A : memref<!tpu.dma_semaphore, #tpu.memory_space<semaphore_mem>>) src(%arg17 : memref<128xf32, #tpu.memory_space<vmem>>) dst(%dma_wait3A_41 : memref<128xf32, #tpu.memory_space<hbm>>)
        tpu.yield
      }) : () -> ()
      %mul3A_26 = arith.constant 128 : i32
      %mul3A_27 = arith.muli %add3A_11, %mul3A_26 : i32
      "tpu.region"() ({
        %run_scoped3A = tpu.sem_alloc : memref<!tpu.dma_semaphore, #tpu.memory_space<semaphore_mem>>
        %dma_start3A_38 = tpu.memref_slice %arg10[%mul3A_27] : memref<102400xf32, #tpu.memory_space<hbm>> -> memref<128xf32, #tpu.memory_space<hbm>>
        %dma_start3A_39 = tpu.memref_slice %arg10[%mul3A_27] : memref<102400xf32, #tpu.memory_space<hbm>> -> memref<128xf32, #tpu.memory_space<hbm>>
        tpu.enqueue_dma source(%arg18 : memref<128xf32, #tpu.memory_space<vmem>>) target(%dma_start3A_39 : memref<128xf32, #tpu.memory_space<hbm>>) target_semaphore(%run_scoped3A : memref<!tpu.dma_semaphore, #tpu.memory_space<semaphore_mem>>)
        %dma_wait3A_40 = tpu.memref_slice %arg10[%mul3A_27] : memref<102400xf32, #tpu.memory_space<hbm>> -> memref<128xf32, #tpu.memory_space<hbm>>
        %dma_wait3A_41 = tpu.memref_slice %arg10[%mul3A_27] : memref<102400xf32, #tpu.memory_space<hbm>> -> memref<128xf32, #tpu.memory_space<hbm>>
        tpu.wait_dma2 semaphore(%run_scoped3A : memref<!tpu.dma_semaphore, #tpu.memory_space<semaphore_mem>>) src(%arg18 : memref<128xf32, #tpu.memory_space<vmem>>) dst(%dma_wait3A_41 : memref<128xf32, #tpu.memory_space<hbm>>)
        tpu.yield
      }) : () -> ()
      %dma_wait3A = arith.constant 0 : i32
      %dma_wait3A_28 = arith.constant 0 : i32
      %dma_wait3A_29 = tpu.memref_slice %arg2[%dma_wait3A, %dma_wait3A_28] : memref<10000x128xf32, #tpu.memory_space<hbm>> -> memref<10000x128xf32, #tpu.memory_space<hbm>>
      tpu.wait_indirect_dma semaphore(%arg19 : memref<!tpu.dma_semaphore, #tpu.memory_space<semaphore_mem>>) src(%dma_wait3A_29 : memref<10000x128xf32, #tpu.memory_space<hbm>>) dst(%arg13 : memref<128x128xf32, #tpu.memory_space<vmem>>)
      %mul3A_30 = arith.constant 128 : i32
      %mul3A_31 = arith.muli %add3A_11, %mul3A_30 : i32
      "tpu.region"() ({
        %run_scoped3A = tpu.sem_alloc : memref<!tpu.dma_semaphore, #tpu.memory_space<semaphore_mem>>
        %dma_start3A_38 = arith.constant 0 : i32
        %dma_start3A_39 = tpu.memref_slice %arg7[%mul3A_31, %dma_start3A_38] : memref<102400x128xf32, #tpu.memory_space<hbm>> -> memref<128x128xf32, #tpu.memory_space<hbm>>
        %dma_start3A_40 = arith.constant 0 : i32
        %dma_start3A_41 = tpu.memref_slice %arg7[%mul3A_31, %dma_start3A_40] : memref<102400x128xf32, #tpu.memory_space<hbm>> -> memref<128x128xf32, #tpu.memory_space<hbm>>
        tpu.enqueue_dma source(%arg13 : memref<128x128xf32, #tpu.memory_space<vmem>>) target(%dma_start3A_41 : memref<128x128xf32, #tpu.memory_space<hbm>>) target_semaphore(%run_scoped3A : memref<!tpu.dma_semaphore, #tpu.memory_space<semaphore_mem>>)
        %dma_wait3A_42 = arith.constant 0 : i32
        %dma_wait3A_43 = tpu.memref_slice %arg7[%mul3A_31, %dma_wait3A_42] : memref<102400x128xf32, #tpu.memory_space<hbm>> -> memref<128x128xf32, #tpu.memory_space<hbm>>
        %dma_wait3A_44 = arith.constant 0 : i32
        %dma_wait3A_45 = tpu.memref_slice %arg7[%mul3A_31, %dma_wait3A_44] : memref<102400x128xf32, #tpu.memory_space<hbm>> -> memref<128x128xf32, #tpu.memory_space<hbm>>
        tpu.wait_dma2 semaphore(%run_scoped3A : memref<!tpu.dma_semaphore, #tpu.memory_space<semaphore_mem>>) src(%arg13 : memref<128x128xf32, #tpu.memory_space<vmem>>) dst(%dma_wait3A_45 : memref<128x128xf32, #tpu.memory_space<hbm>>)
        tpu.yield
      }) : () -> ()
      %dma_wait3A_32 = arith.constant 0 : i32
      %dma_wait3A_33 = arith.constant 0 : i32
      %dma_wait3A_34 = tpu.memref_slice %arg2[%dma_wait3A_32, %dma_wait3A_33] : memref<10000x128xf32, #tpu.memory_space<hbm>> -> memref<10000x128xf32, #tpu.memory_space<hbm>>
      tpu.wait_indirect_dma semaphore(%arg20 : memref<!tpu.dma_semaphore, #tpu.memory_space<semaphore_mem>>) src(%dma_wait3A_34 : memref<10000x128xf32, #tpu.memory_space<hbm>>) dst(%arg14 : memref<128x128xf32, #tpu.memory_space<vmem>>)
      %mul3A_35 = arith.constant 128 : i32
      %mul3A_36 = arith.muli %add3A_11, %mul3A_35 : i32
      "tpu.region"() ({
        %run_scoped3A = tpu.sem_alloc : memref<!tpu.dma_semaphore, #tpu.memory_space<semaphore_mem>>
        %dma_start3A_38 = arith.constant 0 : i32
        %dma_start3A_39 = tpu.memref_slice %arg8[%mul3A_36, %dma_start3A_38] : memref<102400x128xf32, #tpu.memory_space<hbm>> -> memref<128x128xf32, #tpu.memory_space<hbm>>
        %dma_start3A_40 = arith.constant 0 : i32
        %dma_start3A_41 = tpu.memref_slice %arg8[%mul3A_36, %dma_start3A_40] : memref<102400x128xf32, #tpu.memory_space<hbm>> -> memref<128x128xf32, #tpu.memory_space<hbm>>
        tpu.enqueue_dma source(%arg14 : memref<128x128xf32, #tpu.memory_space<vmem>>) target(%dma_start3A_41 : memref<128x128xf32, #tpu.memory_space<hbm>>) target_semaphore(%run_scoped3A : memref<!tpu.dma_semaphore, #tpu.memory_space<semaphore_mem>>)
        %dma_wait3A_42 = arith.constant 0 : i32
        %dma_wait3A_43 = tpu.memref_slice %arg8[%mul3A_36, %dma_wait3A_42] : memref<102400x128xf32, #tpu.memory_space<hbm>> -> memref<128x128xf32, #tpu.memory_space<hbm>>
        %dma_wait3A_44 = arith.constant 0 : i32
        %dma_wait3A_45 = tpu.memref_slice %arg8[%mul3A_36, %dma_wait3A_44] : memref<102400x128xf32, #tpu.memory_space<hbm>> -> memref<128x128xf32, #tpu.memory_space<hbm>>
        tpu.wait_dma2 semaphore(%run_scoped3A : memref<!tpu.dma_semaphore, #tpu.memory_space<semaphore_mem>>) src(%arg14 : memref<128x128xf32, #tpu.memory_space<vmem>>) dst(%dma_wait3A_45 : memref<128x128xf32, #tpu.memory_space<hbm>>)
        tpu.yield
      }) : () -> ()
      %scan3A_37 = arith.constant 0 : i32
      scf.yield %scan3A_37 : i32
    }
    %scan3A_6 = arith.constant 25 : i32
    return
  }
}

#map = affine_map<(d0, d1) -> (0, 0)>
#map1 = affine_map<(d0, d1) -> (0, 0, 0)>
module attributes {stable_mosaic.version = 14 : i64} {
  func.func @scatter_kernel(%arg0: i32, %arg1: i32, %arg2: memref<10000x128xf32, #tpu.memory_space<hbm>>, %arg3: memref<2528x128xi32, #tpu.memory_space<hbm>>, %arg4: memref<2528x128xi32, #tpu.memory_space<hbm>>, %arg5: memref<2x10240x128xf32, #tpu.memory_space<hbm>>, %arg6: memref<10240x128xf32, #tpu.memory_space<vmem_shared>>, %arg7: memref<128xi32, #tpu.memory_space<vmem>>, %arg8: memref<128xi32, #tpu.memory_space<vmem>>, %arg9: memref<128x128xf32, #tpu.memory_space<vmem>>, %arg10: memref<16x128xf32, #tpu.memory_space<vmem>>, %arg11: memref<!tpu.dma_semaphore, #tpu.memory_space<semaphore_mem>>) attributes {dimension_semantics = [#tpu.dimension_semantics<core_parallel>, #tpu.dimension_semantics<subcore_parallel>], iteration_bounds = array<i64: 2, 16>, scalar_prefetch = 0 : i64, scratch_operands = 6 : i64, tpu.core_type = #tpu.core_type<sc_vector_subcore>, window_params = [{transform_indices = #map}, {transform_indices = #map}, {transform_indices = #map}, {transform_indices = #map1}]} {
    %mul3A = arith.constant 16 : i32
    %mul3A_0 = arith.muli %arg0, %mul3A : i32
    %add3A = arith.addi %mul3A_0, %arg1 : i32
    %scan3A = arith.constant 0 : i32
    %scan3A_1 = arith.constant 0 : i32
    %scan3A_2 = arith.constant 16 : i32
    %scan3A_3 = arith.addi %scan3A_1, %scan3A_2 : i32
    %scan3A_4 = arith.constant 1 : i32
    %scan3A_5 = scf.for %scan3A_26 = %scan3A_1 to %scan3A_3 step %scan3A_4 iter_args(%scan3A_27 = %scan3A) -> (i32)  : i32 {
      %scan3A_28 = arith.constant 0 : i32
      %scan3A_29 = arith.constant 0 : i32
      %scan3A_30 = arith.constant 8 : i32
      %scan3A_31 = arith.addi %scan3A_29, %scan3A_30 : i32
      %scan3A_32 = arith.constant 1 : i32
      %scan3A_33 = scf.for %scan3A_36 = %scan3A_29 to %scan3A_31 step %scan3A_32 iter_args(%scan3A_37 = %scan3A_28) -> (i32)  : i32 {
        %broadcast_in_dim3A = arith.constant 0.000000e+00 : f32
        %broadcast_in_dim3A_38 = vector.broadcast %broadcast_in_dim3A : f32 to vector<16xf32>
        %mul3A_39 = arith.constant 16 : i32
        %mul3A_40 = arith.muli %scan3A_36, %mul3A_39 : i32
        %swap3A = arith.index_cast %scan3A_26 : i32 to index
        %swap3A_41 = arith.index_cast %mul3A_40 : i32 to index
        %swap3A_42 = tpu.vector_load %arg10[%swap3A, %swap3A_41] {strides = array<i32>} : memref<16x128xf32, #tpu.memory_space<vmem>>, vector<1x16xf32>,
        %swap3A_43 = vector.shape_cast %swap3A_42 : vector<1x16xf32> to vector<16xf32>
        %swap3A_44 = vector.shape_cast %broadcast_in_dim3A_38 : vector<16xf32> to vector<1x16xf32>
        tpu.vector_store %arg10[%swap3A, %swap3A_41], %swap3A_44 {strides = array<i32>} : memref<16x128xf32, #tpu.memory_space<vmem>>, vector<1x16xf32>,
        %scan3A_45 = arith.constant 0 : i32
        scf.yield %scan3A_45 : i32
      }
      %scan3A_34 = arith.constant 8 : i32
      %scan3A_35 = arith.constant 0 : i32
      scf.yield %scan3A_35 : i32
    }
    %scan3A_6 = arith.constant 16 : i32
    %scan3A_7 = arith.constant 0 : i32
    %scan3A_8 = arith.constant 0 : i32
    %scan3A_9 = arith.constant 40 : i32
    %scan3A_10 = arith.addi %scan3A_8, %scan3A_9 : i32
    %scan3A_11 = arith.constant 1 : i32
    %scan3A_12 = scf.for %scan3A_26 = %scan3A_8 to %scan3A_10 step %scan3A_11 iter_args(%scan3A_27 = %scan3A_7) -> (i32)  : i32 {
      %mul3A_28 = arith.constant 640 : i32
      %mul3A_29 = arith.muli %arg1, %mul3A_28 : i32
      %mul3A_30 = arith.constant 16 : i32
      %mul3A_31 = arith.muli %scan3A_26, %mul3A_30 : i32
      %add3A_32 = arith.addi %mul3A_29, %mul3A_31 : i32
      "tpu.region"() ({
        %run_scoped3A = tpu.sem_alloc : memref<!tpu.dma_semaphore, #tpu.memory_space<semaphore_mem>>
        %dma_start3A = arith.constant 0 : i32
        %dma_start3A_34 = tpu.memref_slice %arg6[%add3A_32, %dma_start3A] : memref<10240x128xf32, #tpu.memory_space<vmem_shared>> -> memref<16x128xf32, #tpu.memory_space<vmem_shared>>
        %dma_start3A_35 = arith.constant 0 : i32
        %dma_start3A_36 = tpu.memref_slice %arg6[%add3A_32, %dma_start3A_35] : memref<10240x128xf32, #tpu.memory_space<vmem_shared>> -> memref<16x128xf32, #tpu.memory_space<vmem_shared>>
        tpu.enqueue_dma source(%arg10 : memref<16x128xf32, #tpu.memory_space<vmem>>) target(%dma_start3A_36 : memref<16x128xf32, #tpu.memory_space<vmem_shared>>) target_semaphore(%run_scoped3A : memref<!tpu.dma_semaphore, #tpu.memory_space<semaphore_mem>>)
        %dma_wait3A = arith.constant 0 : i32
        %dma_wait3A_37 = tpu.memref_slice %arg6[%add3A_32, %dma_wait3A] : memref<10240x128xf32, #tpu.memory_space<vmem_shared>> -> memref<16x128xf32, #tpu.memory_space<vmem_shared>>
        %dma_wait3A_38 = arith.constant 0 : i32
        %dma_wait3A_39 = tpu.memref_slice %arg6[%add3A_32, %dma_wait3A_38] : memref<10240x128xf32, #tpu.memory_space<vmem_shared>> -> memref<16x128xf32, #tpu.memory_space<vmem_shared>>
        tpu.wait_dma2 semaphore(%run_scoped3A : memref<!tpu.dma_semaphore, #tpu.memory_space<semaphore_mem>>) src(%arg10 : memref<16x128xf32, #tpu.memory_space<vmem>>) dst(%dma_wait3A_39 : memref<16x128xf32, #tpu.memory_space<vmem_shared>>)
        tpu.yield
      }) : () -> ()
      %scan3A_33 = arith.constant 0 : i32
      scf.yield %scan3A_33 : i32
    }
    %scan3A_13 = arith.constant 40 : i32
    %barrier3A = arith.constant 0 : index
    tpu.barrier barrier_id(%barrier3A)
    %scan3A_14 = arith.constant 0 : i32
    %scan3A_15 = arith.constant 0 : i32
    %scan3A_16 = arith.constant 79 : i32
    %scan3A_17 = arith.addi %scan3A_15, %scan3A_16 : i32
    %scan3A_18 = arith.constant 1 : i32
    %scan3A_19 = scf.for %scan3A_26 = %scan3A_15 to %scan3A_17 step %scan3A_18 iter_args(%scan3A_27 = %scan3A_14) -> (i32)  : i32 {
      %mul3A_28 = arith.constant 79 : i32
      %mul3A_29 = arith.muli %add3A, %mul3A_28 : i32
      %add3A_30 = arith.addi %mul3A_29, %scan3A_26 : i32
      "tpu.region"() ({
        %run_scoped3A = tpu.sem_alloc : memref<!tpu.dma_semaphore, #tpu.memory_space<semaphore_mem>>
        %dma_start3A_36 = arith.constant 0 : i32
        %dma_start3A_37 = tpu.memref_slice %arg3[%add3A_30, %dma_start3A_36] : memref<2528x128xi32, #tpu.memory_space<hbm>> -> memref<1x128xi32, #tpu.memory_space<hbm>>
        %dma_start3A_38 = tpu.memref_squeeze %dma_start3A_37 : memref<1x128xi32, #tpu.memory_space<hbm>> -> memref<128xi32, #tpu.memory_space<hbm>>
        %dma_start3A_39 = arith.constant 0 : i32
        %dma_start3A_40 = tpu.memref_slice %arg3[%add3A_30, %dma_start3A_39] : memref<2528x128xi32, #tpu.memory_space<hbm>> -> memref<1x128xi32, #tpu.memory_space<hbm>>
        %dma_start3A_41 = tpu.memref_squeeze %dma_start3A_40 : memref<1x128xi32, #tpu.memory_space<hbm>> -> memref<128xi32, #tpu.memory_space<hbm>>
        tpu.enqueue_dma source(%dma_start3A_41 : memref<128xi32, #tpu.memory_space<hbm>>) target(%arg7 : memref<128xi32, #tpu.memory_space<vmem>>) target_semaphore(%run_scoped3A : memref<!tpu.dma_semaphore, #tpu.memory_space<semaphore_mem>>)
        %dma_wait3A_42 = arith.constant 0 : i32
        %dma_wait3A_43 = tpu.memref_slice %arg3[%add3A_30, %dma_wait3A_42] : memref<2528x128xi32, #tpu.memory_space<hbm>> -> memref<1x128xi32, #tpu.memory_space<hbm>>
        %dma_wait3A_44 = tpu.memref_squeeze %dma_wait3A_43 : memref<1x128xi32, #tpu.memory_space<hbm>> -> memref<128xi32, #tpu.memory_space<hbm>>
        %dma_wait3A_45 = arith.constant 0 : i32
        %dma_wait3A_46 = tpu.memref_slice %arg3[%add3A_30, %dma_wait3A_45] : memref<2528x128xi32, #tpu.memory_space<hbm>> -> memref<1x128xi32, #tpu.memory_space<hbm>>
        %dma_wait3A_47 = tpu.memref_squeeze %dma_wait3A_46 : memref<1x128xi32, #tpu.memory_space<hbm>> -> memref<128xi32, #tpu.memory_space<hbm>>
        tpu.wait_dma2 semaphore(%run_scoped3A : memref<!tpu.dma_semaphore, #tpu.memory_space<semaphore_mem>>) src(%dma_wait3A_47 : memref<128xi32, #tpu.memory_space<hbm>>) dst(%arg7 : memref<128xi32, #tpu.memory_space<vmem>>)
        tpu.yield
      }) : () -> ()
      "tpu.region"() ({
        %run_scoped3A = tpu.sem_alloc : memref<!tpu.dma_semaphore, #tpu.memory_space<semaphore_mem>>
        %dma_start3A_36 = arith.constant 0 : i32
        %dma_start3A_37 = tpu.memref_slice %arg4[%add3A_30, %dma_start3A_36] : memref<2528x128xi32, #tpu.memory_space<hbm>> -> memref<1x128xi32, #tpu.memory_space<hbm>>
        %dma_start3A_38 = tpu.memref_squeeze %dma_start3A_37 : memref<1x128xi32, #tpu.memory_space<hbm>> -> memref<128xi32, #tpu.memory_space<hbm>>
        %dma_start3A_39 = arith.constant 0 : i32
        %dma_start3A_40 = tpu.memref_slice %arg4[%add3A_30, %dma_start3A_39] : memref<2528x128xi32, #tpu.memory_space<hbm>> -> memref<1x128xi32, #tpu.memory_space<hbm>>
        %dma_start3A_41 = tpu.memref_squeeze %dma_start3A_40 : memref<1x128xi32, #tpu.memory_space<hbm>> -> memref<128xi32, #tpu.memory_space<hbm>>
        tpu.enqueue_dma source(%dma_start3A_41 : memref<128xi32, #tpu.memory_space<hbm>>) target(%arg8 : memref<128xi32, #tpu.memory_space<vmem>>) target_semaphore(%run_scoped3A : memref<!tpu.dma_semaphore, #tpu.memory_space<semaphore_mem>>)
        %dma_wait3A_42 = arith.constant 0 : i32
        %dma_wait3A_43 = tpu.memref_slice %arg4[%add3A_30, %dma_wait3A_42] : memref<2528x128xi32, #tpu.memory_space<hbm>> -> memref<1x128xi32, #tpu.memory_space<hbm>>
        %dma_wait3A_44 = tpu.memref_squeeze %dma_wait3A_43 : memref<1x128xi32, #tpu.memory_space<hbm>> -> memref<128xi32, #tpu.memory_space<hbm>>
        %dma_wait3A_45 = arith.constant 0 : i32
        %dma_wait3A_46 = tpu.memref_slice %arg4[%add3A_30, %dma_wait3A_45] : memref<2528x128xi32, #tpu.memory_space<hbm>> -> memref<1x128xi32, #tpu.memory_space<hbm>>
        %dma_wait3A_47 = tpu.memref_squeeze %dma_wait3A_46 : memref<1x128xi32, #tpu.memory_space<hbm>> -> memref<128xi32, #tpu.memory_space<hbm>>
        tpu.wait_dma2 semaphore(%run_scoped3A : memref<!tpu.dma_semaphore, #tpu.memory_space<semaphore_mem>>) src(%dma_wait3A_47 : memref<128xi32, #tpu.memory_space<hbm>>) dst(%arg8 : memref<128xi32, #tpu.memory_space<vmem>>)
        tpu.yield
      }) : () -> ()
      %dma_start3A = arith.constant 0 : i32
      %dma_start3A_31 = arith.constant 0 : i32
      %dma_start3A_32 = tpu.memref_slice %arg2[%dma_start3A, %dma_start3A_31] : memref<10000x128xf32, #tpu.memory_space<hbm>> -> memref<10000x128xf32, #tpu.memory_space<hbm>>
      tpu.enqueue_indirect_dma source(%dma_start3A_32 : memref<10000x128xf32, #tpu.memory_space<hbm>>) target(%arg9 : memref<128x128xf32, #tpu.memory_space<vmem>>) offsets(%arg7 : memref<128xi32, #tpu.memory_space<vmem>>) semaphore(%arg11 : memref<!tpu.dma_semaphore, #tpu.memory_space<semaphore_mem>>)
      %dma_wait3A = arith.constant 0 : i32
      %dma_wait3A_33 = arith.constant 0 : i32
      %dma_wait3A_34 = tpu.memref_slice %arg2[%dma_wait3A, %dma_wait3A_33] : memref<10000x128xf32, #tpu.memory_space<hbm>> -> memref<10000x128xf32, #tpu.memory_space<hbm>>
      tpu.wait_indirect_dma semaphore(%arg11 : memref<!tpu.dma_semaphore, #tpu.memory_space<semaphore_mem>>) src(%dma_wait3A_34 : memref<10000x128xf32, #tpu.memory_space<hbm>>) dst(%arg9 : memref<128x128xf32, #tpu.memory_space<vmem>>)
      "tpu.region"() ({
        %run_scoped3A = tpu.sem_alloc : memref<!tpu.dma_semaphore, #tpu.memory_space<semaphore_mem>>
        %dma_start3A_36 = arith.constant 0 : i32
        %dma_start3A_37 = arith.constant 0 : i32
        %dma_start3A_38 = tpu.memref_slice %arg6[%dma_start3A_36, %dma_start3A_37] : memref<10240x128xf32, #tpu.memory_space<vmem_shared>> -> memref<10240x128xf32, #tpu.memory_space<vmem_shared>>
        tpu.enqueue_indirect_dma source(%arg9 : memref<128x128xf32, #tpu.memory_space<vmem>>) target(%dma_start3A_38 : memref<10240x128xf32, #tpu.memory_space<vmem_shared>>) offsets(%arg8 : memref<128xi32, #tpu.memory_space<vmem>>) semaphore(%run_scoped3A : memref<!tpu.dma_semaphore, #tpu.memory_space<semaphore_mem>>) {add = true}
        %dma_wait3A_39 = arith.constant 0 : i32
        %dma_wait3A_40 = arith.constant 0 : i32
        %dma_wait3A_41 = tpu.memref_slice %arg6[%dma_wait3A_39, %dma_wait3A_40] : memref<10240x128xf32, #tpu.memory_space<vmem_shared>> -> memref<10240x128xf32, #tpu.memory_space<vmem_shared>>
        tpu.wait_indirect_dma semaphore(%run_scoped3A : memref<!tpu.dma_semaphore, #tpu.memory_space<semaphore_mem>>) src(%arg9 : memref<128x128xf32, #tpu.memory_space<vmem>>) dst(%dma_wait3A_41 : memref<10240x128xf32, #tpu.memory_space<vmem_shared>>)
        tpu.yield
      }) : () -> ()
      %scan3A_35 = arith.constant 0 : i32
      scf.yield %scan3A_35 : i32
    }
    %scan3A_20 = arith.constant 79 : i32
    %barrier3A_21 = arith.constant 0 : index
    tpu.barrier barrier_id(%barrier3A_21)
    %mul3A_22 = arith.constant 640 : i32
    %mul3A_23 = arith.muli %arg1, %mul3A_22 : i32
    %mul3A_24 = arith.constant 640 : i32
    %mul3A_25 = arith.muli %arg1, %mul3A_24 : i32
    "tpu.region"() ({
      %run_scoped3A = tpu.sem_alloc : memref<!tpu.dma_semaphore, #tpu.memory_space<semaphore_mem>>
      %dma_start3A = arith.constant 0 : i32
      %dma_start3A_26 = tpu.memref_slice %arg5[%arg0, %mul3A_25, %dma_start3A] : memref<2x10240x128xf32, #tpu.memory_space<hbm>> -> memref<1x640x128xf32, #tpu.memory_space<hbm>>
      %dma_start3A_27 = tpu.memref_squeeze %dma_start3A_26 : memref<1x640x128xf32, #tpu.memory_space<hbm>> -> memref<640x128xf32, #tpu.memory_space<hbm>>
      %dma_start3A_28 = arith.constant 0 : i32
      %dma_start3A_29 = tpu.memref_slice %arg6[%mul3A_23, %dma_start3A_28] : memref<10240x128xf32, #tpu.memory_space<vmem_shared>> -> memref<640x128xf32, #tpu.memory_space<vmem_shared>>
      tpu.enqueue_dma source(%dma_start3A_29 : memref<640x128xf32, #tpu.memory_space<vmem_shared>>) target(%dma_start3A_27 : memref<640x128xf32, #tpu.memory_space<hbm>>) target_semaphore(%run_scoped3A : memref<!tpu.dma_semaphore, #tpu.memory_space<semaphore_mem>>)
      %dma_wait3A = arith.constant 0 : i32
      %dma_wait3A_30 = tpu.memref_slice %arg5[%arg0, %mul3A_25, %dma_wait3A] : memref<2x10240x128xf32, #tpu.memory_space<hbm>> -> memref<1x640x128xf32, #tpu.memory_space<hbm>>
      %dma_wait3A_31 = tpu.memref_squeeze %dma_wait3A_30 : memref<1x640x128xf32, #tpu.memory_space<hbm>> -> memref<640x128xf32, #tpu.memory_space<hbm>>
      %dma_wait3A_32 = arith.constant 0 : i32
      %dma_wait3A_33 = tpu.memref_slice %arg6[%mul3A_23, %dma_wait3A_32] : memref<10240x128xf32, #tpu.memory_space<vmem_shared>> -> memref<640x128xf32, #tpu.memory_space<vmem_shared>>
      tpu.wait_dma2 semaphore(%run_scoped3A : memref<!tpu.dma_semaphore, #tpu.memory_space<semaphore_mem>>) src(%dma_wait3A_33 : memref<640x128xf32, #tpu.memory_space<vmem_shared>>) dst(%dma_wait3A_31 : memref<640x128xf32, #tpu.memory_space<hbm>>)
      tpu.yield
    }) : () -> ()
    return
  }
}

module attributes {stable_mosaic.version = 14 : i64} {
  func.func @_tc_mid(%arg0: i32, %arg1: memref<2x2048x128xf32, #tpu.memory_space<vmem>>, %arg2: memref<2048x128xf32, #tpu.memory_space<vmem>>, %arg3: memref<2048xf32, #tpu.memory_space<vmem>>, %arg4: memref<128xf32, #tpu.memory_space<vmem>>, %arg5: memref<128x128xf32, #tpu.memory_space<vmem>>, %arg6: memref<2048x128xf32, #tpu.memory_space<vmem>>) attributes {dimension_semantics = [#tpu.dimension_semantics<arbitrary>], iteration_bounds = array<i64: 5>, scalar_prefetch = 0 : i64, scratch_operands = 0 : i64, tpu.core_type = #tpu.core_type<tc>, window_params = [{transform_indices = @transform_0, window_bounds = array<i64: 2, 2048, 128>}, {transform_indices = @transform_1, window_bounds = array<i64: 2048, 128>}, {transform_indices = @transform_2, window_bounds = array<i64: 2048>}, {pipeline_mode = #tpu.pipeline_mode<synchronous>, transform_indices = @transform_3, window_bounds = array<i64: 128>}, {pipeline_mode = #tpu.pipeline_mode<synchronous>, transform_indices = @transform_4, window_bounds = array<i64: 128, 128>}, {transform_indices = @transform_5, window_bounds = array<i64: 2048, 128>}]} {
    %get3A = arith.constant 0 : index
    %get3A_0 = arith.constant 0 : index
    %get3A_1 = arith.constant 0 : index
    %get3A_2 = vector.load %arg1[%get3A, %get3A_0, %get3A_1] : memref<2x2048x128xf32, #tpu.memory_space<vmem>>, vector<1x2048x128xf32>
    %get3A_3 = vector.shape_cast %get3A_2 : vector<1x2048x128xf32> to vector<2048x128xf32>
    %get3A_4 = arith.constant 1 : index
    %get3A_5 = arith.constant 0 : index
    %get3A_6 = arith.constant 0 : index
    %get3A_7 = vector.load %arg1[%get3A_4, %get3A_5, %get3A_6] : memref<2x2048x128xf32, #tpu.memory_space<vmem>>, vector<1x2048x128xf32>
    %get3A_8 = vector.shape_cast %get3A_7 : vector<1x2048x128xf32> to vector<2048x128xf32>
    %add3A = arith.addf %get3A_3, %get3A_8 : vector<2048x128xf32>
    %get3A_9 = arith.constant 0 : index
    %get3A_10 = arith.constant 0 : index
    %get3A_11 = vector.load %arg2[%get3A_9, %get3A_10] : memref<2048x128xf32, #tpu.memory_space<vmem>>, vector<2048x128xf32>
    %add3A_12 = arith.addf %add3A, %get3A_11 : vector<2048x128xf32>
    %get3A_13 = arith.constant 0 : index
    %get3A_14 = vector.load %arg3[%get3A_13] : memref<2048xf32, #tpu.memory_space<vmem>>, vector<2048xf32>
    %broadcast_in_dim3A = vector.shape_cast %get3A_14 : vector<2048xf32> to vector<2048x1xf32>
    %mul3A = vector.broadcast %broadcast_in_dim3A : vector<2048x1xf32> to vector<2048x128xf32>
    %mul3A_15 = arith.mulf %add3A_12, %mul3A : vector<2048x128xf32>
    %get3A_16 = arith.constant 0 : index
    %get3A_17 = vector.load %arg4[%get3A_16] : memref<128xf32, #tpu.memory_space<vmem>>, vector<128xf32>
    %broadcast_in_dim3A_18 = vector.shape_cast %get3A_17 : vector<128xf32> to vector<1x128xf32>
    %add3A_19 = vector.broadcast %broadcast_in_dim3A_18 : vector<1x128xf32> to vector<2048x128xf32>
    %add3A_20 = arith.addf %mul3A_15, %add3A_19 : vector<2048x128xf32>
    %max3A = arith.constant 0.000000e+00 : f32
    %max3A_21 = vector.broadcast %max3A : f32 to vector<2048x128xf32>
    %max3A_22 = arith.maximumf %add3A_20, %max3A_21 : vector<2048x128xf32>
    %get3A_23 = arith.constant 0 : index
    %get3A_24 = arith.constant 0 : index
    %get3A_25 = vector.load %arg5[%get3A_23, %get3A_24] : memref<128x128xf32, #tpu.memory_space<vmem>>, vector<128x128xf32>
    %dot_general3A = arith.constant dense<0.000000e+00> : vector<2048x128xf32>
    %dot_general3A_26 = tpu.matmul %max3A_22, %get3A_25, %dot_general3A {dimension_numbers = #tpu.dot_dimension_numbers<[1], [0], [0], [1], [0, 0, 1, 1], [], []>, transpose_lhs_hint = false} : vector<2048x128xf32>, vector<128x128xf32>, vector<2048x128xf32> -> vector<2048x128xf32>
    %broadcast_in_dim3A_27 = vector.shape_cast %get3A_14 : vector<2048xf32> to vector<2048x1xf32>
    %mul3A_28 = vector.broadcast %broadcast_in_dim3A_27 : vector<2048x1xf32> to vector<2048x128xf32>
    %mul3A_29 = arith.mulf %dot_general3A_26, %mul3A_28 : vector<2048x128xf32>
    %swap3A = arith.constant 0 : index
    %swap3A_30 = arith.constant 0 : index
    %swap3A_31 = vector.load %arg6[%swap3A, %swap3A_30] : memref<2048x128xf32, #tpu.memory_space<vmem>>, vector<2048x128xf32>
    tpu.vector_store %arg6[%swap3A, %swap3A_30], %mul3A_29 {strides = array<i32>} : memref<2048x128xf32, #tpu.memory_space<vmem>>, vector<2048x128xf32>,
    return
  }
  func.func @transform_0(%arg0: i32) -> (i32, i32, i32) {
    %c0_i32 = arith.constant 0 : i32
    %c0_i32_0 = arith.constant 0 : i32
    %c0_i32_1 = arith.constant 0 : i32
    return %c0_i32, %arg0, %c0_i32_0 : i32, i32, i32
  }
  func.func @transform_1(%arg0: i32) -> (i32, i32) {
    %c0_i32 = arith.constant 0 : i32
    %c0_i32_0 = arith.constant 0 : i32
    return %arg0, %c0_i32 : i32, i32
  }
  func.func @transform_2(%arg0: i32) -> i32 {
    %c0_i32 = arith.constant 0 : i32
    return %arg0 : i32
  }
  func.func @transform_3(%arg0: i32) -> i32 {
    %c0_i32 = arith.constant 0 : i32
    %c0_i32_0 = arith.constant 0 : i32
    return %c0_i32 : i32
  }
  func.func @transform_4(%arg0: i32) -> (i32, i32) {
    %c0_i32 = arith.constant 0 : i32
    %c0_i32_0 = arith.constant 0 : i32
    %c0_i32_1 = arith.constant 0 : i32
    return %c0_i32, %c0_i32_0 : i32, i32
  }
  func.func @transform_5(%arg0: i32) -> (i32, i32) {
    %c0_i32 = arith.constant 0 : i32
    %c0_i32_0 = arith.constant 0 : i32
    return %arg0, %c0_i32 : i32, i32
  }
}

module attributes {stable_mosaic.version = 14 : i64} {
  func.func @_tc_first(%arg0: i32, %arg1: memref<32x2048xf32, #tpu.memory_space<vmem>>, %arg2: memref<2048x128xf32, #tpu.memory_space<vmem>>, %arg3: memref<128x128xf32, #tpu.memory_space<vmem>>, %arg4: memref<2048xf32, #tpu.memory_space<vmem>>, %arg5: memref<2048x128xf32, #tpu.memory_space<vmem>>) attributes {dimension_semantics = [#tpu.dimension_semantics<arbitrary>], iteration_bounds = array<i64: 5>, scalar_prefetch = 0 : i64, scratch_operands = 0 : i64, tpu.core_type = #tpu.core_type<tc>, window_params = [{transform_indices = @transform_0, window_bounds = array<i64: 32, 2048>}, {transform_indices = @transform_1, window_bounds = array<i64: 2048, 128>}, {pipeline_mode = #tpu.pipeline_mode<synchronous>, transform_indices = @transform_2, window_bounds = array<i64: 128, 128>}, {transform_indices = @transform_3, window_bounds = array<i64: 2048>}, {transform_indices = @transform_4, window_bounds = array<i64: 2048, 128>}]} {
    %get3A = arith.constant 0 : index
    %get3A_0 = arith.constant 0 : index
    %get3A_1 = vector.load %arg1[%get3A, %get3A_0] : memref<32x2048xf32, #tpu.memory_space<vmem>>, vector<32x2048xf32>
    %reduce_sum3A = arith.constant dense<0.000000e+00> : vector<2048xf32>
    %reduce_sum3A_2 = vector.multi_reduction <add>, %get3A_1, %reduce_sum3A [0] : vector<32x2048xf32> to vector<2048xf32>
    %add3A = arith.constant 1.000000e+00 : f32
    %add3A_3 = vector.broadcast %add3A : f32 to vector<2048xf32>
    %add3A_4 = arith.addf %reduce_sum3A_2, %add3A_3 : vector<2048xf32>
    %rsqrt3A = math.rsqrt %add3A_4 : vector<2048xf32>
    %swap3A = arith.constant 0 : index
    %swap3A_5 = vector.load %arg4[%swap3A] : memref<2048xf32, #tpu.memory_space<vmem>>, vector<2048xf32>
    tpu.vector_store %arg4[%swap3A], %rsqrt3A {strides = array<i32>} : memref<2048xf32, #tpu.memory_space<vmem>>, vector<2048xf32>,
    %get3A_6 = arith.constant 0 : index
    %get3A_7 = arith.constant 0 : index
    %get3A_8 = vector.load %arg2[%get3A_6, %get3A_7] : memref<2048x128xf32, #tpu.memory_space<vmem>>, vector<2048x128xf32>
    %get3A_9 = arith.constant 0 : index
    %get3A_10 = arith.constant 0 : index
    %get3A_11 = vector.load %arg3[%get3A_9, %get3A_10] : memref<128x128xf32, #tpu.memory_space<vmem>>, vector<128x128xf32>
    %dot_general3A = arith.constant dense<0.000000e+00> : vector<2048x128xf32>
    %dot_general3A_12 = tpu.matmul %get3A_8, %get3A_11, %dot_general3A {dimension_numbers = #tpu.dot_dimension_numbers<[1], [0], [0], [1], [0, 0, 1, 1], [], []>, transpose_lhs_hint = false} : vector<2048x128xf32>, vector<128x128xf32>, vector<2048x128xf32> -> vector<2048x128xf32>
    %broadcast_in_dim3A = vector.shape_cast %rsqrt3A : vector<2048xf32> to vector<2048x1xf32>
    %mul3A = vector.broadcast %broadcast_in_dim3A : vector<2048x1xf32> to vector<2048x128xf32>
    %mul3A_13 = arith.mulf %dot_general3A_12, %mul3A : vector<2048x128xf32>
    %swap3A_14 = arith.constant 0 : index
    %swap3A_15 = arith.constant 0 : index
    %swap3A_16 = vector.load %arg5[%swap3A_14, %swap3A_15] : memref<2048x128xf32, #tpu.memory_space<vmem>>, vector<2048x128xf32>
    tpu.vector_store %arg5[%swap3A_14, %swap3A_15], %mul3A_13 {strides = array<i32>} : memref<2048x128xf32, #tpu.memory_space<vmem>>, vector<2048x128xf32>,
    return
  }
  func.func @transform_0(%arg0: i32) -> (i32, i32) {
    %c0_i32 = arith.constant 0 : i32
    %c0_i32_0 = arith.constant 0 : i32
    return %c0_i32, %arg0 : i32, i32
  }
  func.func @transform_1(%arg0: i32) -> (i32, i32) {
    %c0_i32 = arith.constant 0 : i32
    %c0_i32_0 = arith.constant 0 : i32
    return %arg0, %c0_i32 : i32, i32
  }
  func.func @transform_2(%arg0: i32) -> (i32, i32) {
    %c0_i32 = arith.constant 0 : i32
    %c0_i32_0 = arith.constant 0 : i32
    %c0_i32_1 = arith.constant 0 : i32
    return %c0_i32, %c0_i32_0 : i32, i32
  }
  func.func @transform_3(%arg0: i32) -> i32 {
    %c0_i32 = arith.constant 0 : i32
    return %arg0 : i32
  }
  func.func @transform_4(%arg0: i32) -> (i32, i32) {
    %c0_i32 = arith.constant 0 : i32
    %c0_i32_0 = arith.constant 0 : i32
    return %arg0, %c0_i32 : i32, i32
  }
}

module attributes {stable_mosaic.version = 14 : i64} {
  func.func @_tc_last(%arg0: i32, %arg1: memref<2x2048x128xf32, #tpu.memory_space<vmem>>, %arg2: memref<2048x128xf32, #tpu.memory_space<vmem>>, %arg3: memref<2048xf32, #tpu.memory_space<vmem>>, %arg4: memref<128xf32, #tpu.memory_space<vmem>>, %arg5: memref<128x128xf32, #tpu.memory_space<vmem>>, %arg6: memref<128xf32, #tpu.memory_space<vmem>>, %arg7: memref<2048x128xf32, #tpu.memory_space<vmem>>) attributes {dimension_semantics = [#tpu.dimension_semantics<arbitrary>], iteration_bounds = array<i64: 5>, scalar_prefetch = 0 : i64, scratch_operands = 0 : i64, tpu.core_type = #tpu.core_type<tc>, window_params = [{transform_indices = @transform_0, window_bounds = array<i64: 2, 2048, 128>}, {transform_indices = @transform_1, window_bounds = array<i64: 2048, 128>}, {transform_indices = @transform_2, window_bounds = array<i64: 2048>}, {pipeline_mode = #tpu.pipeline_mode<synchronous>, transform_indices = @transform_3, window_bounds = array<i64: 128>}, {pipeline_mode = #tpu.pipeline_mode<synchronous>, transform_indices = @transform_4, window_bounds = array<i64: 128, 128>}, {pipeline_mode = #tpu.pipeline_mode<synchronous>, transform_indices = @transform_5, window_bounds = array<i64: 128>}, {transform_indices = @transform_6, window_bounds = array<i64: 2048, 128>}]} {
    %get3A = arith.constant 0 : index
    %get3A_0 = arith.constant 0 : index
    %get3A_1 = arith.constant 0 : index
    %get3A_2 = vector.load %arg1[%get3A, %get3A_0, %get3A_1] : memref<2x2048x128xf32, #tpu.memory_space<vmem>>, vector<1x2048x128xf32>
    %get3A_3 = vector.shape_cast %get3A_2 : vector<1x2048x128xf32> to vector<2048x128xf32>
    %get3A_4 = arith.constant 1 : index
    %get3A_5 = arith.constant 0 : index
    %get3A_6 = arith.constant 0 : index
    %get3A_7 = vector.load %arg1[%get3A_4, %get3A_5, %get3A_6] : memref<2x2048x128xf32, #tpu.memory_space<vmem>>, vector<1x2048x128xf32>
    %get3A_8 = vector.shape_cast %get3A_7 : vector<1x2048x128xf32> to vector<2048x128xf32>
    %add3A = arith.addf %get3A_3, %get3A_8 : vector<2048x128xf32>
    %get3A_9 = arith.constant 0 : index
    %get3A_10 = arith.constant 0 : index
    %get3A_11 = vector.load %arg2[%get3A_9, %get3A_10] : memref<2048x128xf32, #tpu.memory_space<vmem>>, vector<2048x128xf32>
    %add3A_12 = arith.addf %add3A, %get3A_11 : vector<2048x128xf32>
    %get3A_13 = arith.constant 0 : index
    %get3A_14 = vector.load %arg3[%get3A_13] : memref<2048xf32, #tpu.memory_space<vmem>>, vector<2048xf32>
    %broadcast_in_dim3A = vector.shape_cast %get3A_14 : vector<2048xf32> to vector<2048x1xf32>
    %mul3A = vector.broadcast %broadcast_in_dim3A : vector<2048x1xf32> to vector<2048x128xf32>
    %mul3A_15 = arith.mulf %add3A_12, %mul3A : vector<2048x128xf32>
    %get3A_16 = arith.constant 0 : index
    %get3A_17 = vector.load %arg4[%get3A_16] : memref<128xf32, #tpu.memory_space<vmem>>, vector<128xf32>
    %broadcast_in_dim3A_18 = vector.shape_cast %get3A_17 : vector<128xf32> to vector<1x128xf32>
    %add3A_19 = vector.broadcast %broadcast_in_dim3A_18 : vector<1x128xf32> to vector<2048x128xf32>
    %add3A_20 = arith.addf %mul3A_15, %add3A_19 : vector<2048x128xf32>
    %max3A = arith.constant 0.000000e+00 : f32
    %max3A_21 = vector.broadcast %max3A : f32 to vector<2048x128xf32>
    %max3A_22 = arith.maximumf %add3A_20, %max3A_21 : vector<2048x128xf32>
    %get3A_23 = arith.constant 0 : index
    %get3A_24 = arith.constant 0 : index
    %get3A_25 = vector.load %arg5[%get3A_23, %get3A_24] : memref<128x128xf32, #tpu.memory_space<vmem>>, vector<128x128xf32>
    %dot_general3A = arith.constant dense<0.000000e+00> : vector<2048x128xf32>
    %dot_general3A_26 = tpu.matmul %max3A_22, %get3A_25, %dot_general3A {dimension_numbers = #tpu.dot_dimension_numbers<[1], [0], [0], [1], [0, 0, 1, 1], [], []>, transpose_lhs_hint = false} : vector<2048x128xf32>, vector<128x128xf32>, vector<2048x128xf32> -> vector<2048x128xf32>
    %get3A_27 = arith.constant 0 : index
    %get3A_28 = vector.load %arg6[%get3A_27] : memref<128xf32, #tpu.memory_space<vmem>>, vector<128xf32>
    %broadcast_in_dim3A_29 = vector.shape_cast %get3A_28 : vector<128xf32> to vector<1x128xf32>
    %add3A_30 = vector.broadcast %broadcast_in_dim3A_29 : vector<1x128xf32> to vector<2048x128xf32>
    %add3A_31 = arith.addf %dot_general3A_26, %add3A_30 : vector<2048x128xf32>
    %swap3A = arith.constant 0 : index
    %swap3A_32 = arith.constant 0 : index
    %swap3A_33 = vector.load %arg7[%swap3A, %swap3A_32] : memref<2048x128xf32, #tpu.memory_space<vmem>>, vector<2048x128xf32>
    tpu.vector_store %arg7[%swap3A, %swap3A_32], %add3A_31 {strides = array<i32>} : memref<2048x128xf32, #tpu.memory_space<vmem>>, vector<2048x128xf32>,
    return
  }
  func.func @transform_0(%arg0: i32) -> (i32, i32, i32) {
    %c0_i32 = arith.constant 0 : i32
    %c0_i32_0 = arith.constant 0 : i32
    %c0_i32_1 = arith.constant 0 : i32
    return %c0_i32, %arg0, %c0_i32_0 : i32, i32, i32
  }
  func.func @transform_1(%arg0: i32) -> (i32, i32) {
    %c0_i32 = arith.constant 0 : i32
    %c0_i32_0 = arith.constant 0 : i32
    return %arg0, %c0_i32 : i32, i32
  }
  func.func @transform_2(%arg0: i32) -> i32 {
    %c0_i32 = arith.constant 0 : i32
    return %arg0 : i32
  }
  func.func @transform_3(%arg0: i32) -> i32 {
    %c0_i32 = arith.constant 0 : i32
    %c0_i32_0 = arith.constant 0 : i32
    return %c0_i32 : i32
  }
  func.func @transform_4(%arg0: i32) -> (i32, i32) {
    %c0_i32 = arith.constant 0 : i32
    %c0_i32_0 = arith.constant 0 : i32
    %c0_i32_1 = arith.constant 0 : i32
    return %c0_i32, %c0_i32_0 : i32, i32
  }
  func.func @transform_5(%arg0: i32) -> i32 {
    %c0_i32 = arith.constant 0 : i32
    %c0_i32_0 = arith.constant 0 : i32
    return %c0_i32 : i32
  }
  func.func @transform_6(%arg0: i32) -> (i32, i32) {
    %c0_i32 = arith.constant 0 : i32
    %c0_i32_0 = arith.constant 0 : i32
    return %arg0, %c0_i32 : i32, i32
  }
}

module attributes {stable_mosaic.version = 14 : i64} {
  func.func @_tc_decoder(%arg0: i32, %arg1: memref<2048x128xf32, #tpu.memory_space<vmem>>, %arg2: memref<2048x128xf32, #tpu.memory_space<vmem>>, %arg3: memref<2048xf32, #tpu.memory_space<vmem>>, %arg4: memref<2048xf32, #tpu.memory_space<vmem>>, %arg5: memref<128x128xf32, #tpu.memory_space<vmem>>, %arg6: memref<128x128xf32, #tpu.memory_space<vmem>>, %arg7: memref<128xf32, #tpu.memory_space<vmem>>, %arg8: memref<128xf32, #tpu.memory_space<vmem>>, %arg9: memref<128xf32, #tpu.memory_space<vmem>>, %arg10: memref<128x128xf32, #tpu.memory_space<vmem>>, %arg11: memref<128xf32, #tpu.memory_space<vmem>>, %arg12: memref<128xf32, #tpu.memory_space<vmem>>, %arg13: memref<1x1xf32, #tpu.memory_space<vmem>>, %arg14: memref<2048xf32, #tpu.memory_space<vmem>>) attributes {dimension_semantics = [#tpu.dimension_semantics<arbitrary>], iteration_bounds = array<i64: 50>, scalar_prefetch = 0 : i64, scratch_operands = 0 : i64, tpu.core_type = #tpu.core_type<tc>, window_params = [{transform_indices = @transform_0, window_bounds = array<i64: 2048, 128>}, {transform_indices = @transform_1, window_bounds = array<i64: 2048, 128>}, {transform_indices = @transform_2, window_bounds = array<i64: 2048>}, {transform_indices = @transform_3, window_bounds = array<i64: 2048>}, {pipeline_mode = #tpu.pipeline_mode<synchronous>, transform_indices = @transform_4, window_bounds = array<i64: 128, 128>}, {pipeline_mode = #tpu.pipeline_mode<synchronous>, transform_indices = @transform_5, window_bounds = array<i64: 128, 128>}, {pipeline_mode = #tpu.pipeline_mode<synchronous>, transform_indices = @transform_6, window_bounds = array<i64: 128>}, {pipeline_mode = #tpu.pipeline_mode<synchronous>, transform_indices = @transform_7, window_bounds = array<i64: 128>}, {pipeline_mode = #tpu.pipeline_mode<synchronous>, transform_indices = @transform_8, window_bounds = array<i64: 128>}, {pipeline_mode = #tpu.pipeline_mode<synchronous>, transform_indices = @transform_9, window_bounds = array<i64: 128, 128>}, {pipeline_mode = #tpu.pipeline_mode<synchronous>, transform_indices = @transform_10, window_bounds = array<i64: 128>}, {pipeline_mode = #tpu.pipeline_mode<synchronous>, transform_indices = @transform_11, window_bounds = array<i64: 128>}, {pipeline_mode = #tpu.pipeline_mode<synchronous>, transform_indices = @transform_12, window_bounds = array<i64: 1, 1>}, {transform_indices = @transform_13, window_bounds = array<i64: 2048>}]} {
    %get3A = arith.constant 0 : index
    %get3A_0 = arith.constant 0 : index
    %get3A_1 = vector.load %arg1[%get3A, %get3A_0] : memref<2048x128xf32, #tpu.memory_space<vmem>>, vector<2048x128xf32>
    %get3A_2 = arith.constant 0 : index
    %get3A_3 = arith.constant 0 : index
    %get3A_4 = vector.load %arg5[%get3A_2, %get3A_3] : memref<128x128xf32, #tpu.memory_space<vmem>>, vector<128x128xf32>
    %dot_general3A = arith.constant dense<0.000000e+00> : vector<2048x128xf32>
    %dot_general3A_5 = tpu.matmul %get3A_1, %get3A_4, %dot_general3A {dimension_numbers = #tpu.dot_dimension_numbers<[1], [0], [0], [1], [0, 0, 1, 1], [], []>, transpose_lhs_hint = false} : vector<2048x128xf32>, vector<128x128xf32>, vector<2048x128xf32> -> vector<2048x128xf32>
    %get3A_6 = arith.constant 0 : index
    %get3A_7 = arith.constant 0 : index
    %get3A_8 = vector.load %arg2[%get3A_6, %get3A_7] : memref<2048x128xf32, #tpu.memory_space<vmem>>, vector<2048x128xf32>
    %get3A_9 = arith.constant 0 : index
    %get3A_10 = arith.constant 0 : index
    %get3A_11 = vector.load %arg6[%get3A_9, %get3A_10] : memref<128x128xf32, #tpu.memory_space<vmem>>, vector<128x128xf32>
    %dot_general3A_12 = arith.constant dense<0.000000e+00> : vector<2048x128xf32>
    %dot_general3A_13 = tpu.matmul %get3A_8, %get3A_11, %dot_general3A_12 {dimension_numbers = #tpu.dot_dimension_numbers<[1], [0], [0], [1], [0, 0, 1, 1], [], []>, transpose_lhs_hint = false} : vector<2048x128xf32>, vector<128x128xf32>, vector<2048x128xf32> -> vector<2048x128xf32>
    %add3A = arith.addf %dot_general3A_5, %dot_general3A_13 : vector<2048x128xf32>
    %get3A_14 = arith.constant 0 : index
    %get3A_15 = vector.load %arg3[%get3A_14] : memref<2048xf32, #tpu.memory_space<vmem>>, vector<2048xf32>
    %broadcast_in_dim3A = vector.shape_cast %get3A_15 : vector<2048xf32> to vector<2048x1xf32>
    %get3A_16 = arith.constant 0 : index
    %get3A_17 = vector.load %arg7[%get3A_16] : memref<128xf32, #tpu.memory_space<vmem>>, vector<128xf32>
    %broadcast_in_dim3A_18 = vector.shape_cast %get3A_17 : vector<128xf32> to vector<1x128xf32>
    %mul3A = vector.broadcast %broadcast_in_dim3A : vector<2048x1xf32> to vector<2048x128xf32>
    %mul3A_19 = vector.broadcast %broadcast_in_dim3A_18 : vector<1x128xf32> to vector<2048x128xf32>
    %mul3A_20 = arith.mulf %mul3A, %mul3A_19 : vector<2048x128xf32>
    %add3A_21 = arith.addf %add3A, %mul3A_20 : vector<2048x128xf32>
    %get3A_22 = arith.constant 0 : index
    %get3A_23 = vector.load %arg4[%get3A_22] : memref<2048xf32, #tpu.memory_space<vmem>>, vector<2048xf32>
    %broadcast_in_dim3A_24 = vector.shape_cast %get3A_23 : vector<2048xf32> to vector<2048x1xf32>
    %get3A_25 = arith.constant 0 : index
    %get3A_26 = vector.load %arg8[%get3A_25] : memref<128xf32, #tpu.memory_space<vmem>>, vector<128xf32>
    %broadcast_in_dim3A_27 = vector.shape_cast %get3A_26 : vector<128xf32> to vector<1x128xf32>
    %mul3A_28 = vector.broadcast %broadcast_in_dim3A_24 : vector<2048x1xf32> to vector<2048x128xf32>
    %mul3A_29 = vector.broadcast %broadcast_in_dim3A_27 : vector<1x128xf32> to vector<2048x128xf32>
    %mul3A_30 = arith.mulf %mul3A_28, %mul3A_29 : vector<2048x128xf32>
    %add3A_31 = arith.addf %add3A_21, %mul3A_30 : vector<2048x128xf32>
    %get3A_32 = arith.constant 0 : index
    %get3A_33 = vector.load %arg9[%get3A_32] : memref<128xf32, #tpu.memory_space<vmem>>, vector<128xf32>
    %broadcast_in_dim3A_34 = vector.shape_cast %get3A_33 : vector<128xf32> to vector<1x128xf32>
    %add3A_35 = vector.broadcast %broadcast_in_dim3A_34 : vector<1x128xf32> to vector<2048x128xf32>
    %add3A_36 = arith.addf %add3A_31, %add3A_35 : vector<2048x128xf32>
    %max3A = arith.constant 0.000000e+00 : f32
    %max3A_37 = vector.broadcast %max3A : f32 to vector<2048x128xf32>
    %max3A_38 = arith.maximumf %add3A_36, %max3A_37 : vector<2048x128xf32>
    %get3A_39 = arith.constant 0 : index
    %get3A_40 = arith.constant 0 : index
    %get3A_41 = vector.load %arg10[%get3A_39, %get3A_40] : memref<128x128xf32, #tpu.memory_space<vmem>>, vector<128x128xf32>
    %dot_general3A_42 = arith.constant dense<0.000000e+00> : vector<2048x128xf32>
    %dot_general3A_43 = tpu.matmul %max3A_38, %get3A_41, %dot_general3A_42 {dimension_numbers = #tpu.dot_dimension_numbers<[1], [0], [0], [1], [0, 0, 1, 1], [], []>, transpose_lhs_hint = false} : vector<2048x128xf32>, vector<128x128xf32>, vector<2048x128xf32> -> vector<2048x128xf32>
    %get3A_44 = arith.constant 0 : index
    %get3A_45 = vector.load %arg11[%get3A_44] : memref<128xf32, #tpu.memory_space<vmem>>, vector<128xf32>
    %broadcast_in_dim3A_46 = vector.shape_cast %get3A_45 : vector<128xf32> to vector<1x128xf32>
    %add3A_47 = vector.broadcast %broadcast_in_dim3A_46 : vector<1x128xf32> to vector<2048x128xf32>
    %add3A_48 = arith.addf %dot_general3A_43, %add3A_47 : vector<2048x128xf32>
    %max3A_49 = arith.constant 0.000000e+00 : f32
    %max3A_50 = vector.broadcast %max3A_49 : f32 to vector<2048x128xf32>
    %max3A_51 = arith.maximumf %add3A_48, %max3A_50 : vector<2048x128xf32>
    %get3A_52 = arith.constant 0 : index
    %get3A_53 = vector.load %arg12[%get3A_52] : memref<128xf32, #tpu.memory_space<vmem>>, vector<128xf32>
    %broadcast_in_dim3A_54 = vector.shape_cast %get3A_53 : vector<128xf32> to vector<1x128xf32>
    %mul3A_55 = vector.broadcast %broadcast_in_dim3A_54 : vector<1x128xf32> to vector<2048x128xf32>
    %mul3A_56 = arith.mulf %max3A_51, %mul3A_55 : vector<2048x128xf32>
    %reduce_sum3A = arith.constant dense<0.000000e+00> : vector<2048xf32>
    %reduce_sum3A_57 = vector.multi_reduction <add>, %mul3A_56, %reduce_sum3A [1] : vector<2048x128xf32> to vector<2048xf32>
    %get3A_58 = arith.constant 0 : index
    %get3A_59 = arith.constant 0 : index
    %get3A_60 = vector.load %arg13[%get3A_58, %get3A_59] : memref<1x1xf32, #tpu.memory_space<vmem>>, vector<1x1xf32>
    %get3A_61 = vector.extract %get3A_60[0, 0] : f32 from vector<1x1xf32>
    %add3A_62 = vector.broadcast %get3A_61 : f32 to vector<2048xf32>
    %add3A_63 = arith.addf %reduce_sum3A_57, %add3A_62 : vector<2048xf32>
    %logistic3A = arith.negf %add3A_63 : vector<2048xf32>
    %logistic3A_64 = math.exp %logistic3A : vector<2048xf32>
    %logistic3A_65 = arith.constant 1.000000e+00 : f32
    %logistic3A_66 = vector.broadcast %logistic3A_65 : f32 to vector<2048xf32>
    %logistic3A_67 = arith.addf %logistic3A_66, %logistic3A_64 : vector<2048xf32>
    %logistic3A_68 = arith.divf %logistic3A_66, %logistic3A_67 : vector<2048xf32>
    %swap3A = arith.constant 0 : index
    %swap3A_69 = vector.load %arg14[%swap3A] : memref<2048xf32, #tpu.memory_space<vmem>>, vector<2048xf32>
    tpu.vector_store %arg14[%swap3A], %logistic3A_68 {strides = array<i32>} : memref<2048xf32, #tpu.memory_space<vmem>>, vector<2048xf32>,
    return
  }
  func.func @transform_0(%arg0: i32) -> (i32, i32) {
    %c0_i32 = arith.constant 0 : i32
    %c0_i32_0 = arith.constant 0 : i32
    return %arg0, %c0_i32 : i32, i32
  }
  func.func @transform_1(%arg0: i32) -> (i32, i32) {
    %c0_i32 = arith.constant 0 : i32
    %c0_i32_0 = arith.constant 0 : i32
    return %arg0, %c0_i32 : i32, i32
  }
  func.func @transform_2(%arg0: i32) -> i32 {
    %c0_i32 = arith.constant 0 : i32
    return %arg0 : i32
  }
  func.func @transform_3(%arg0: i32) -> i32 {
    %c0_i32 = arith.constant 0 : i32
    return %arg0 : i32
  }
  func.func @transform_4(%arg0: i32) -> (i32, i32) {
    %c0_i32 = arith.constant 0 : i32
    %c0_i32_0 = arith.constant 0 : i32
    %c0_i32_1 = arith.constant 0 : i32
    return %c0_i32, %c0_i32_0 : i32, i32
  }
  func.func @transform_5(%arg0: i32) -> (i32, i32) {
    %c0_i32 = arith.constant 0 : i32
    %c0_i32_0 = arith.constant 0 : i32
    %c0_i32_1 = arith.constant 0 : i32
    return %c0_i32, %c0_i32_0 : i32, i32
  }
  func.func @transform_6(%arg0: i32) -> i32 {
    %c0_i32 = arith.constant 0 : i32
    %c0_i32_0 = arith.constant 0 : i32
    return %c0_i32 : i32
  }
  func.func @transform_7(%arg0: i32) -> i32 {
    %c0_i32 = arith.constant 0 : i32
    %c0_i32_0 = arith.constant 0 : i32
    return %c0_i32 : i32
  }
  func.func @transform_8(%arg0: i32) -> i32 {
    %c0_i32 = arith.constant 0 : i32
    %c0_i32_0 = arith.constant 0 : i32
    return %c0_i32 : i32
  }
  func.func @transform_9(%arg0: i32) -> (i32, i32) {
    %c0_i32 = arith.constant 0 : i32
    %c0_i32_0 = arith.constant 0 : i32
    %c0_i32_1 = arith.constant 0 : i32
    return %c0_i32, %c0_i32_0 : i32, i32
  }
  func.func @transform_10(%arg0: i32) -> i32 {
    %c0_i32 = arith.constant 0 : i32
    %c0_i32_0 = arith.constant 0 : i32
    return %c0_i32 : i32
  }
  func.func @transform_11(%arg0: i32) -> i32 {
    %c0_i32 = arith.constant 0 : i32
    %c0_i32_0 = arith.constant 0 : i32
    return %c0_i32 : i32
  }
  func.func @transform_12(%arg0: i32) -> (i32, i32) {
    %c0_i32 = arith.constant 0 : i32
    %c0_i32_0 = arith.constant 0 : i32
    %c0_i32_1 = arith.constant 0 : i32
    return %c0_i32, %c0_i32_0 : i32, i32
  }
  func.func @transform_13(%arg0: i32) -> i32 {
    %c0_i32 = arith.constant 0 : i32
    return %arg0 : i32
  }
}

</mosaic_0001>

<sc_bundles>
// kernel: kernel.10.cloned.1.call-start
scs
__scs_entry_jumppad:
0x0: {  	(pc) =	sbr.rel $0x88, $3  }
0x1: {  	(tag) =	ssettag $0x0;
	lr =	simm.s32 $0x1  }
0x2: {  	[smem:$0x3F90] =	sst lr;
	_ =	strace $0xD0000000  }
0x3: {  	_ = 	snop  }
0x4: {  	_ = 	snop  }
0x5: {  	_ = 	snop  }
0x6: {  	_ = 	snop  }
0x7: {  	_ = 	snop  }
__scs_overlays_trampoline_lowered:
0x8: {  	[smem:$0x3F9F] =	sst s0  }
0x9: {  	[smem:$0x3FA0] =	sst s1  }
0xa: {  	[smem:$0x3FA1] =	sst s2  }
0xb: {  	[smem:$0x3FA2] =	sst s3  }
0xc: {  	[smem:$0x3FA3] =	sst s4  }
0xd: {  	[smem:$0x3FA4] =	sst s5  }
0xe: {  	[smem:$0x3FA5] =	sst s6  }
0xf: {  	[smem:$0x3FA6] =	sst s7  }
0x10: {  	[smem:$0x3FA7] =	sst s8  }
0x11: {  	[smem:$0x3FA8] =	sst s9;
	s0 =	simm.s32 @!p0 $0x0  }
0x12: {  	s1 =	sld [smem:$0x3F8E];
	s0 =	simm.s32 @p0 $0x1  }
0x13: {  	[smem:$0x3FA9] =	sst s0;
	s0 =	simm.s32 @!p1 $0x0  }
0x14: {  	s2 =	sld [smem:$0x3F8D];
	s0 =	simm.s32 @p1 $0x1  }
0x15: {  	[smem:$0x3FAA] =	sst s0;
	s0 =	simm.s32 @!p2 $0x0  }
0x16: {  	s3 =	sld [smem:$0x3FDB];
	s0 =	simm.s32 @p2 $0x1  }
0x17: {  	s4 =	simm.s32 $0x1BF5;
	[smem:$0x3FAC] =	sst s0  }
0x18: {  	s0 =	sld [smem:$0x3F8F];
	_ =	swait.ge [sflag:s4], $0x0  }
0x19: {  	s7 =	sld [smem:$0x3F90]  }
0x1a: {  	s8 =	sadd.s32 $0xFFFFE003, lr  }
0x1b: {  	s9 =	sadd.s32 $0xFFFFFEF7, lr;
	s5 =	simm.s32 $0xFFFFFFFF;
	p2 =	slt.u32 s8, $0xFFFFF086  }
0x1c: {  	p1 =	slt.u32 s9, $0xF7A;
	s5 =	simm.s32 @!p2 $0x0  }
0x1d: {  	s5 =	simm.s32 @p1 $0x1;
	p0 =	seq.s32 s7, s2  }
0x1e: {  	s7 =	smul.u32 @!p0 $0xF7A, s2;
	p2 =	seq.s32 @!p0 s5, $0x0  }
0x1f: {  	s9 =	smul.u32 $0xF7A, s1;
	s8 =	simm.s32 @!p0 $0x1BF5;
	p2 =	por !p2, p0  }
0x20: {  	[sflag:s8] =	ssyncset.s32 @!p0 $0xFFFFF086;
	s6 =	sadd.s32 @!p0 s3, s7;
	s7 =	simm.s32 @!p0 $0x108  }
0x21: {  	s3 =	sadd.s32 s3, s9;
	s6 =	sadd.s32 @!p0 $0x88, s6;
	s7 =	simm.s32 @p2 $0x1082  }
0x22: {  	[simem:s7], [sflag:s8] =	dma.local @!p0 [hbm:s6], $0xF7A  }
0x23: {  	s9 =	sor.u32 $0xD0000000, s2;
	s6 =	simm.s32 $0x108;
	_ =	swait.ge @!p0 [sflag:s8], $0x0  }
0x24: {  	s3 =	sadd.s32 $0x88, s3;
	s6 =	simm.s32 @!p1 $0x1082;
	[sflag:s4] =	ssyncset.s32 $0xFFFFF086  }
0x25: {  	[simem:s6], [sflag:s4] =	dma.local [hbm:s3], $0xF7A  }
0x26: {  	[smem:$0x3F90] =	sst s1;
	(tag) =	ssettag s2;
	_ =	strace s9  }
0x27: {  	s1 =	sld [smem:$0x3FA0]  }
0x28: {  	s2 =	sld [smem:$0x3FA1]  }
0x29: {  	s4 =	sld [smem:$0x3FA3]  }
0x2a: {  	p0 =	seq.s32 s5, $0x0;
	s5 =	sld [smem:$0x3FA4]  }
0x2b: {  	s6 =	sld [smem:$0x3FA5]  }
0x2c: {  	s7 =	sld [smem:$0x3FA6]  }
0x2d: {  	s3 =	simm.s32 $0x108;
	s8 =	sld [smem:$0x3FA7]  }
0x2e: {  	s3 =	simm.s32 @!p0 $0x1082;
	s9 =	sld [smem:$0x3FA8]  }
0x2f: {  	lr =	sadd.s32 s0, s3;
	s0 =	sld [smem:$0x3F9F]  }
0x30: {  	s3 =	sld [smem:$0x3FA2]  }
0x31: {  	[smem:$0x3FAB] =	sst s10  }
0x32: {  	s10 =	sld [smem:$0x3FA9];
	_ =	sdelay $0x3  }
0x33: {  	p0 =	seq.s32 s10, $0x1;
	s10 =	sld [smem:$0x3FAB];
	_ =	sdelay $0x3  }
0x34: {  	[smem:$0x3FAB] =	sst s10  }
0x35: {  	s10 =	sld [smem:$0x3FAA];
	_ =	sdelay $0x3  }
0x36: {  	p1 =	seq.s32 s10, $0x1;
	s10 =	sld [smem:$0x3FAB];
	_ =	sdelay $0x3  }
0x37: {  	[smem:$0x3FAB] =	sst s10  }
0x38: {  	s10 =	sld [smem:$0x3FAC]  }
0x39: {  	_ = 	snop;
	(pc) =	sbr.ind lr, $3  }
0x3a: {  	_ = 	snop  }
0x3b: {  	_ = 	snop  }
0x3c: {  	p2 =	seq.s32 s10, $0x1;
	s10 =	sld [smem:$0x3FAB]  }
0x3d: {  	_ =	shalt  }
0x3e: {  	_ =	shalt  }
0x3f: {  	_ =	shalt  }
0x40: {  	_ =	shalt  }
0x41: {  	_ =	shalt  }
0x42: {  	_ =	shalt  }
0x43: {  	_ =	shalt  }
0x44: {  	_ =	shalt  }
0x45: {  	_ =	shalt  }
0x46: {  	_ =	shalt  }
0x47: {  	_ =	shalt  }
0x48: {  	_ =	shalt  }
0x49: {  	_ =	shalt  }
0x4a: {  	_ =	shalt  }
0x4b: {  	_ =	shalt  }
0x4c: {  	_ =	shalt  }
0x4d: {  	_ =	shalt  }
0x4e: {  	_ =	shalt  }
0x4f: {  	_ =	shalt  }
0x50: {  	_ =	shalt  }
0x51: {  	_ =	shalt  }
0x52: {  	_ =	shalt  }
0x53: {  	_ =	shalt  }
0x54: {  	_ =	shalt  }
0x55: {  	_ =	shalt  }
0x56: {  	_ =	shalt  }
0x57: {  	_ =	shalt  }
0x58: {  	_ =	shalt  }
0x59: {  	_ =	shalt  }
0x5a: {  	_ =	shalt  }
0x5b: {  	_ =	shalt  }
0x5c: {  	_ =	shalt  }
0x5d: {  	_ =	shalt  }
0x5e: {  	_ =	shalt  }
0x5f: {  	_ =	shalt  }
0x60: {  	_ =	shalt  }
0x61: {  	_ =	shalt  }
0x62: {  	_ =	shalt  }
0x63: {  	_ =	shalt  }
0x64: {  	_ =	shalt  }
0x65: {  	_ =	shalt  }
0x66: {  	_ =	shalt  }
0x67: {  	_ =	shalt  }
0x68: {  	_ =	shalt  }
0x69: {  	_ =	shalt  }
0x6a: {  	_ =	shalt  }
0x6b: {  	_ =	shalt  }
0x6c: {  	_ =	shalt  }
0x6d: {  	_ =	shalt  }
0x6e: {  	_ =	shalt  }
0x6f: {  	_ =	shalt  }
0x70: {  	_ =	shalt  }
0x71: {  	_ =	shalt  }
0x72: {  	_ =	shalt  }
0x73: {  	_ =	shalt  }
0x74: {  	_ =	shalt  }
0x75: {  	_ =	shalt  }
0x76: {  	_ =	shalt  }
0x77: {  	_ =	shalt  }
0x78: {  	_ =	shalt  }
0x79: {  	_ =	shalt  }
0x7a: {  	_ =	shalt  }
0x7b: {  	_ =	shalt  }
0x7c: {  	_ =	shalt  }
0x7d: {  	_ =	shalt  }
0x7e: {  	_ =	shalt  }
0x7f: {  	_ =	shalt  }
0x80: {  	_ =	shalt  }
0x81: {  	_ =	shalt  }
0x82: {  	_ =	shalt  }
0x83: {  	_ =	shalt  }
0x84: {  	_ =	shalt  }
0x85: {  	_ =	shalt  }
0x86: {  	_ =	shalt  }
0x87: {  	_ =	shalt  }
.Lfunc_end0:
.L_simem_size_0:
called_computation_lowered:
.L_overlay_start_0:
0x88: {  	s2 =	sld [smem:$0x3FD9]  }
0x89: {  	s3 =	sld [smem:$0x3FFE];
	_ =	sdelay $0x1  }
0x8a: {  	s1 =	srdreg.scid  }
0x8b: {  	s0 =	sand.u32 $0x1, s1  }
0x8c: {  	s16 =	sshll.u32 s0, $0xA;
	s2 =	sadd.s32 s3, s2  }
0x8d: {  	s2 =	sadd.s32 s2, s16  }
0x8e: {  	[smem:$0x3FB7] =	sst s2  }
0x8f: {  	_ = 	snop  }
0x90: {  	(tm) =	ssettm $0x1  }
0x91: {  	s17 =	sld [smem:$0x3FFB];
	_ =	sdelay $0x3  }
0x92: {  	_ =	strace s17  }
0x93: {  	s2 =	sld [smem:$0x3FFC];
	_ =	sdelay $0x3  }
0x94: {  	_ =	strace s2  }
0x95: {  	s2 =	sld [smem:$0x3FFD];
	_ =	sdelay $0x3  }
0x96: {  	_ =	strace s2  }
0x97: {  	_ =	strace $0x8FFFFFFF  }
0x98: {  	s18 =	sld [smem:$0x3FDB];
	_ =	sdelay $0x1  }
0x99: {  	s19 =	simm.s32 $_scs_section_size  }
0x9a: {  	s4 =	simm.s32 $_size__tile_overlayer_lowered;
	s5 =	simm.s32 $_tile_overlayer_lowered  }
0x9b: {  	s22 =	simm.s32 $0x1BFF;
	s21 =	sshll.u32 s5, $0x1;
	s2 =	sadd.s32 s19, s18  }
0x9c: {  	s6 =	simm.s32 $0x0;
	s20 =	sshll.u32 s4, $0x1;
	s4 =	sadd.s32 s21, s2  }
0x9d: {  	[timem:s6], [sflag:s22] =	dma.local [hbm:s4], s20  }
0x9e: {  	_ =	swait.ge [sflag:s22], s20  }
0x9f: {  	s3 =	ssub.s32 $0x0, s20;
	[sflag:s22] =	ssyncset.done $0x0  }
0xa0: {  	[sflag:s22] =	ssyncadd.s32 s3;
	_ =	sdelay $0x1  }
0xa1: {  	s23 =	simm.s32 $0x1B8B  }
0xa2: {  	_ =	swait.ge [sflag:s23], $0x1  }
0xa3: {  	[sflag:s23] =	ssyncset.done $0x0  }
0xa4: {  	s25 =	simm.s32 $0x1B8E;
	s24 =	sld [smem:$0x3FFE];
	[sflag:s23] =	ssyncadd.s32 $0xFFFFFFFF  }
0xa5: {  	s26 =	simm.s32 $execute0_lowered;
	[smem:$0x3FD2] =	sst s25  }
0xa6: {  	s4 =	sshll.u32 s26, $0x1;
	_ =	strace $0x80000046;
	[dreg:$0x1] =	wrdreg $0xFFFFFFFF  }
0xa7: {  	s28 =	simm.s32 $_size_execute0_lowered;
	s2 =	sadd.s32 s2, s4;
	[dreg:$0x0] =	wrdreg $0x0  }
0xa8: {  	s4 =	sshll.u32 s28, $0x1;
	[dreg:$0x2] =	wrdreg s2  }
0xa9: {  	[dreg:$0x3] =	wrdreg s4  }
0xaa: {  	[dreg:$0x4] =	wrdreg $0xC0  }
0xab: {  	_ =	task [dreg:s6], $0x5FFFF  }
0xac: {  	[dreg:$0x1] =	wrdreg $0xFFFFFFFF  }
0xad: {  	[dreg:$0x0] =	wrdreg $0x60  }
0xae: {  	[dreg:$0x2] =	wrdreg s24  }
0xaf: {  	[dreg:$0x3] =	wrdreg $0x9  }
0xb0: {  	_ =	task.clear_ibuf [dreg:s6], $0x4FFFF;
	_ =	strace $0x90000046  }
0xb1: {  	s29 =	simm.s32 $0x9;
	_ =	strace $0x80000048  }
0xb2: {  	_ =	swait.ge [sflag:s29], $0x1  }
0xb3: {  	[sflag:s29] =	ssyncadd.s32 $0xFFFFFFFF  }
0xb4: {  	_ =	strace $0x90000048  }
0xb5: {  	_ =	sfence  }
0xb6: {  	s30 =	sld [smem:$0x0];
	_ =	sdelay $0x2  }
0xb7: {  	s31 =	sshll.u32 s1, $0xD;
	s1 =	sshrl.u32 s1, $0x2  }
0xb8: {  	s3 =	sand.u32 $0x4000, s31;
	s1 =	sadd.s32 s1, s30  }
0xb9: {  	s0 =	sor.u32 s3, s0;
	s1 =	sshll.u32 s1, $0x11  }
0xba: {  	s0 =	sor.u32 s1, s0  }
0xbb: {  	s0 =	sadd.s32 $0x8F2B, s0  }
0xbc: {  	[sflag:s0] =	ssyncadd.remote.s32 $0x1  }
0xbd: {  	_ =	sfence.sel $0xFFFF  }
0xbe: {  	[dreg:$0x0] =	wrdreg $0xFFFFFFFF;
	(pc) =	sbr.abs _section_cstart, $3  }
0xbf: {  	[dreg:$0x1] =	wrdreg $0xFFFFFFFF  }
0xc0: {  	_ =	task.clear_ibuf [dreg:s6], $0x2FFFF;
	_ =	strace $0x9FFFFFFF  }
0xc1: {  	(tm) =	ssettm $0x7FFFFFFF  }
tec
execute0_lowered:
.L_overlay_start_1:
0x0: {  	(tag) =	ssettag $0x1  }
0x1: {  	s0 =	srdreg.scid;
	s4 =	rddreg [dreg:$0x0]  }
0x2: {  	s2 =	simm.s32 $0x0;
	s9 =	simm.s32 $0x400;
	s3 =	sand.u32 $0x1, s0  }
0x3: {  	s10 =	simm.s32 $0x0;
	s0 =	stileid.u32;
	s1 =	sshll.u32 s3, $0x4  }
0x4: {  	[smem:$0x7FF] =	sst s2;
	s7 =	smul.u32 $0x4F00, s3;
	s5 =	sor.u32 s0, s1  }
0x5: {  	s6 =	sshll.u32 s0, $0x7;
	s8 =	smul.u32 $0x4F0, s0;
	s5 =	sshrl.u32 s5, $0x3  }
0x6: {  	s3 =	ssub.s32 $0x2, s3;
	s1 =	rddreg [dreg:$0x1];
	s5 =	smul.u32 $0x14000, s5  }
0x7: {  	_ =	strace $0x80000047;
	s6 =	sand.u32 $0x380, s6;
	s29 =	sshrl.u32 s3, $0x1  }
0x8: {  	s7 =	sadd.s32 s7, s4;
	s30 =	ssub.s32 s3, s29;
	s5 =	sor.u32 s6, s5  }
0x9: {  	s31 =	sadd.s32 s8, s7;
	s7 =	simm.s32 $0x1;
	s5 =	sshrl.u32 s5, $0x3  }
0xa: {  	s8 =	simm.s32 $0x80;
	s6 =	simm.s32 $0x2800;
	s4 =	sadd.s32 s5, s4  }
0xb: {  	v0 =	vimm.f32 $0.0e+00;
	v1 =	vimm.f32 $1.000000000e+00;
	s5 =	sadd.s32 $0xE800, s31;
	s3 =	sadd.s32 $0x18600, s4;
	s4 =	smax.u32 s30, $0x1  }
.LBB2_1:
0xc: {  	s11 =	simm.s32 $0x0  }
.LBB2_2:
0xd: {  	p0 =	sne.s32 s11, $0x9FC0  }
.Ltmp0:
0xe: {  	_ = 	snop;
	(pc) =	sbr.rel @p0 .LBB2_2-.Ltmp0, $3  }
0xf: {  	_ =	sdelay $0x1  }
0x10: {  	s12 =	sshra.s32 s11, $0x2  }
0x11: {  	s11 =	sadd.s32 $0x40, s11;
	[tilespmem:s12+$0x0] =	vst v0  }
0x12: {  	s11 =	simm.s32 $0x0  }
.LBB2_4:
0x13: {  	s12 =	sadd.s32 s11, s5  }
0x14: {  	[tilespmem:s6], [sflag:$0x1] =	stream.linear.gather [hbm4b:s12+s2], $0x80, $0x38;
	[tilespmem:$0x2880] =	vst v63  }
0x15: {  	_ =	swait.ge [sflag:s7], $0x80  }
0x16: {  	[sflag:s7] =	ssyncset.done $0x0  }
0x17: {  	[sflag:s7] =	ssyncadd.s32 $0xFFFFFF80  }
0x18: {  	v2 =	vld [tilespmem:$0x2800];
	_ =	sdelay $0x7  }
0x19: {  	[tilespmem:v2+s2+$0x0] =	vst.idx.add.f32.msk $0xffff, v1  }
0x1a: {  	v2 =	vld [tilespmem:$0x2810];
	_ =	sdelay $0x7  }
0x1b: {  	[tilespmem:v2+s2+$0x0] =	vst.idx.add.f32.msk $0xffff, v1  }
0x1c: {  	v2 =	vld [tilespmem:$0x2820];
	_ =	sdelay $0x7  }
0x1d: {  	[tilespmem:v2+s2+$0x0] =	vst.idx.add.f32.msk $0xffff, v1  }
0x1e: {  	v2 =	vld [tilespmem:$0x2830];
	_ =	sdelay $0x7  }
0x1f: {  	[tilespmem:v2+s2+$0x0] =	vst.idx.add.f32.msk $0xffff, v1  }
0x20: {  	v2 =	vld [tilespmem:$0x2840];
	_ =	sdelay $0x7  }
0x21: {  	[tilespmem:v2+s2+$0x0] =	vst.idx.add.f32.msk $0xffff, v1  }
0x22: {  	v2 =	vld [tilespmem:$0x2850];
	_ =	sdelay $0x7  }
0x23: {  	[tilespmem:v2+s2+$0x0] =	vst.idx.add.f32.msk $0xffff, v1  }
0x24: {  	v2 =	vld [tilespmem:$0x2860];
	_ =	sdelay $0x7  }
0x25: {  	[tilespmem:v2+s2+$0x0] =	vst.idx.add.f32.msk $0xffff, v1  }
0x26: {  	v2 =	vld [tilespmem:$0x2870];
	_ =	sdelay $0x2  }
0x27: {  	p0 =	sne.s32 s11, $0x4E0  }
.Ltmp1:
0x28: {  	_ = 	snop;
	(pc) =	sbr.rel @p0 .LBB2_4-.Ltmp1, $2  }
0x29: {  	_ =	sdelay $0x2  }
0x2a: {  	s11 =	sadd.s32 $0x10, s11;
	[tilespmem:v2+s2+$0x0] =	vst.idx.add.f32.msk $0xffff, v1  }
0x2b: {  	s10 =	sadd.s32 $0x1, s10  }
0x2c: {  	p0 =	sne.s32 s10, s4  }
.Ltmp2:
0x2d: {  	_ = 	snop;
	(pc) =	sbr.rel @p0 .LBB2_1-.Ltmp2, $4  }
0x2e: {  	[hbm4b:s3+s8] =	stream.strided.scatter [tilespmem:s2], [sflag:$0x1], $0x2800, s9, s8, $0x38;
	[tilespmem:$0x2880] =	vst v63  }
0x2f: {  	_ =	swait.ge [sflag:s7], $0x2800  }
0x30: {  	[sflag:s7] =	ssyncset.done $0x0  }
0x31: {  	[sflag:s7] =	ssyncadd.s32 $0xFFFFD800  }
0x32: {  	_ =	sfence.sel $0x180000  }
0x33: {  	[bflag:$0x0] =	sbarrier.arrive $0xFFFF  }
0x34: {  	p0 =	sne.s32 s0, $0x0;
	_ =	strace $0x90000047  }
0x35: {  	s0 =	sadd.s32 @!p0 $0x100000, s1;
	[bflag:$0x2] =	sbarrier.arrive $0xFFFF  }
0x36: {  	[sflag:s0] =	ssyncadd.tile.s32 @!p0 $0x1;
	_ =	shalt  }
.Lfunc_end2:
_tile_overlayer_lowered:
.L_overlay_start_2:
0x37: {  	(tag) =	ssettag $0x2  }
0x38: {  	s0 =	rddreg [dreg:$0x0];
	s2 =	stileid.u32  }
0x39: {  	s1 =	rddreg [dreg:$0x1];
	p0 =	sne.s32 s2, $0x0  }
0x3a: {  	s3 =	rddreg [dreg:$0x2];
	[bflag:$0x3] =	sbarrier.arrive $0xFFFF;
	s2 =	simm.s32 @!p0 $0x1C01  }
0x3b: {  	[timem:s3], [sflag:s2] =	dma.local @!p0 [hbm:s0], s1  }
0x3c: {  	s0 =	simm.s32 @!p0 $0x1  }
0x3d: {  	_ =	swait.ge @!p0 [sflag:s0], s1  }
0x3e: {  	s1 =	ssub.s32 @!p0 $0x0, s1;
	[sflag:s0] =	ssyncset.done @!p0 $0x0  }
0x3f: {  	[sflag:s0] =	ssyncadd.s32 @!p0 s1  }
0x40: {  	[bflag:$0x3] =	sbarrier.arrive $0xFFFF  }
0x41: {  	_ =	shalt  }

// kernel: kernel.13.cloned.1.call-start
scs
__scs_entry_jumppad:
0x0: {  	(pc) =	sbr.rel $0x88, $3  }
0x1: {  	(tag) =	ssettag $0x0;
	lr =	simm.s32 $0x1  }
0x2: {  	[smem:$0x3F90] =	sst lr;
	_ =	strace $0xD0000000  }
0x3: {  	_ = 	snop  }
0x4: {  	_ = 	snop  }
0x5: {  	_ = 	snop  }
0x6: {  	_ = 	snop  }
0x7: {  	_ = 	snop  }
__scs_overlays_trampoline_lowered:
0x8: {  	[smem:$0x3F9F] =	sst s0  }
0x9: {  	[smem:$0x3FA0] =	sst s1  }
0xa: {  	[smem:$0x3FA1] =	sst s2  }
0xb: {  	[smem:$0x3FA2] =	sst s3  }
0xc: {  	[smem:$0x3FA3] =	sst s4  }
0xd: {  	[smem:$0x3FA4] =	sst s5  }
0xe: {  	[smem:$0x3FA5] =	sst s6  }
0xf: {  	[smem:$0x3FA6] =	sst s7  }
0x10: {  	[smem:$0x3FA7] =	sst s8  }
0x11: {  	[smem:$0x3FA8] =	sst s9;
	s0 =	simm.s32 @!p0 $0x0  }
0x12: {  	s1 =	sld [smem:$0x3F8E];
	s0 =	simm.s32 @p0 $0x1  }
0x13: {  	[smem:$0x3FA9] =	sst s0;
	s0 =	simm.s32 @!p1 $0x0  }
0x14: {  	s2 =	sld [smem:$0x3F8D];
	s0 =	simm.s32 @p1 $0x1  }
0x15: {  	[smem:$0x3FAA] =	sst s0;
	s0 =	simm.s32 @!p2 $0x0  }
0x16: {  	s3 =	sld [smem:$0x3FDB];
	s0 =	simm.s32 @p2 $0x1  }
0x17: {  	s4 =	simm.s32 $0x1BF5;
	[smem:$0x3FAC] =	sst s0  }
0x18: {  	s0 =	sld [smem:$0x3F8F];
	_ =	swait.ge [sflag:s4], $0x0  }
0x19: {  	s7 =	sld [smem:$0x3F90]  }
0x1a: {  	s8 =	sadd.s32 $0xFFFFE003, lr  }
0x1b: {  	s9 =	sadd.s32 $0xFFFFFEF7, lr;
	s5 =	simm.s32 $0xFFFFFFFF;
	p2 =	slt.u32 s8, $0xFFFFF086  }
0x1c: {  	p1 =	slt.u32 s9, $0xF7A;
	s5 =	simm.s32 @!p2 $0x0  }
0x1d: {  	s5 =	simm.s32 @p1 $0x1;
	p0 =	seq.s32 s7, s2  }
0x1e: {  	s7 =	smul.u32 @!p0 $0xF7A, s2;
	p2 =	seq.s32 @!p0 s5, $0x0  }
0x1f: {  	s9 =	smul.u32 $0xF7A, s1;
	s8 =	simm.s32 @!p0 $0x1BF5;
	p2 =	por !p2, p0  }
0x20: {  	[sflag:s8] =	ssyncset.s32 @!p0 $0xFFFFF086;
	s6 =	sadd.s32 @!p0 s3, s7;
	s7 =	simm.s32 @!p0 $0x108  }
0x21: {  	s3 =	sadd.s32 s3, s9;
	s6 =	sadd.s32 @!p0 $0x88, s6;
	s7 =	simm.s32 @p2 $0x1082  }
0x22: {  	[simem:s7], [sflag:s8] =	dma.local @!p0 [hbm:s6], $0xF7A  }
0x23: {  	s9 =	sor.u32 $0xD0000000, s2;
	s6 =	simm.s32 $0x108;
	_ =	swait.ge @!p0 [sflag:s8], $0x0  }
0x24: {  	s3 =	sadd.s32 $0x88, s3;
	s6 =	simm.s32 @!p1 $0x1082;
	[sflag:s4] =	ssyncset.s32 $0xFFFFF086  }
0x25: {  	[simem:s6], [sflag:s4] =	dma.local [hbm:s3], $0xF7A  }
0x26: {  	[smem:$0x3F90] =	sst s1;
	(tag) =	ssettag s2;
	_ =	strace s9  }
0x27: {  	s1 =	sld [smem:$0x3FA0]  }
0x28: {  	s2 =	sld [smem:$0x3FA1]  }
0x29: {  	s4 =	sld [smem:$0x3FA3]  }
0x2a: {  	p0 =	seq.s32 s5, $0x0;
	s5 =	sld [smem:$0x3FA4]  }
0x2b: {  	s6 =	sld [smem:$0x3FA5]  }
0x2c: {  	s7 =	sld [smem:$0x3FA6]  }
0x2d: {  	s3 =	simm.s32 $0x108;
	s8 =	sld [smem:$0x3FA7]  }
0x2e: {  	s3 =	simm.s32 @!p0 $0x1082;
	s9 =	sld [smem:$0x3FA8]  }
0x2f: {  	lr =	sadd.s32 s0, s3;
	s0 =	sld [smem:$0x3F9F]  }
0x30: {  	s3 =	sld [smem:$0x3FA2]  }
0x31: {  	[smem:$0x3FAB] =	sst s10  }
0x32: {  	s10 =	sld [smem:$0x3FA9];
	_ =	sdelay $0x3  }
0x33: {  	p0 =	seq.s32 s10, $0x1;
	s10 =	sld [smem:$0x3FAB];
	_ =	sdelay $0x3  }
0x34: {  	[smem:$0x3FAB] =	sst s10  }
0x35: {  	s10 =	sld [smem:$0x3FAA];
	_ =	sdelay $0x3  }
0x36: {  	p1 =	seq.s32 s10, $0x1;
	s10 =	sld [smem:$0x3FAB];
	_ =	sdelay $0x3  }
0x37: {  	[smem:$0x3FAB] =	sst s10  }
0x38: {  	s10 =	sld [smem:$0x3FAC]  }
0x39: {  	_ = 	snop;
	(pc) =	sbr.ind lr, $3  }
0x3a: {  	_ = 	snop  }
0x3b: {  	_ = 	snop  }
0x3c: {  	p2 =	seq.s32 s10, $0x1;
	s10 =	sld [smem:$0x3FAB]  }
0x3d: {  	_ =	shalt  }
0x3e: {  	_ =	shalt  }
0x3f: {  	_ =	shalt  }
0x40: {  	_ =	shalt  }
0x41: {  	_ =	shalt  }
0x42: {  	_ =	shalt  }
0x43: {  	_ =	shalt  }
0x44: {  	_ =	shalt  }
0x45: {  	_ =	shalt  }
0x46: {  	_ =	shalt  }
0x47: {  	_ =	shalt  }
0x48: {  	_ =	shalt  }
0x49: {  	_ =	shalt  }
0x4a: {  	_ =	shalt  }
0x4b: {  	_ =	shalt  }
0x4c: {  	_ =	shalt  }
0x4d: {  	_ =	shalt  }
0x4e: {  	_ =	shalt  }
0x4f: {  	_ =	shalt  }
0x50: {  	_ =	shalt  }
0x51: {  	_ =	shalt  }
0x52: {  	_ =	shalt  }
0x53: {  	_ =	shalt  }
0x54: {  	_ =	shalt  }
0x55: {  	_ =	shalt  }
0x56: {  	_ =	shalt  }
0x57: {  	_ =	shalt  }
0x58: {  	_ =	shalt  }
0x59: {  	_ =	shalt  }
0x5a: {  	_ =	shalt  }
0x5b: {  	_ =	shalt  }
0x5c: {  	_ =	shalt  }
0x5d: {  	_ =	shalt  }
0x5e: {  	_ =	shalt  }
0x5f: {  	_ =	shalt  }
0x60: {  	_ =	shalt  }
0x61: {  	_ =	shalt  }
0x62: {  	_ =	shalt  }
0x63: {  	_ =	shalt  }
0x64: {  	_ =	shalt  }
0x65: {  	_ =	shalt  }
0x66: {  	_ =	shalt  }
0x67: {  	_ =	shalt  }
0x68: {  	_ =	shalt  }
0x69: {  	_ =	shalt  }
0x6a: {  	_ =	shalt  }
0x6b: {  	_ =	shalt  }
0x6c: {  	_ =	shalt  }
0x6d: {  	_ =	shalt  }
0x6e: {  	_ =	shalt  }
0x6f: {  	_ =	shalt  }
0x70: {  	_ =	shalt  }
0x71: {  	_ =	shalt  }
0x72: {  	_ =	shalt  }
0x73: {  	_ =	shalt  }
0x74: {  	_ =	shalt  }
0x75: {  	_ =	shalt  }
0x76: {  	_ =	shalt  }
0x77: {  	_ =	shalt  }
0x78: {  	_ =	shalt  }
0x79: {  	_ =	shalt  }
0x7a: {  	_ =	shalt  }
0x7b: {  	_ =	shalt  }
0x7c: {  	_ =	shalt  }
0x7d: {  	_ =	shalt  }
0x7e: {  	_ =	shalt  }
0x7f: {  	_ =	shalt  }
0x80: {  	_ =	shalt  }
0x81: {  	_ =	shalt  }
0x82: {  	_ =	shalt  }
0x83: {  	_ =	shalt  }
0x84: {  	_ =	shalt  }
0x85: {  	_ =	shalt  }
0x86: {  	_ =	shalt  }
0x87: {  	_ =	shalt  }
.Lfunc_end0:
.L_simem_size_0:
called_computation.1_lowered:
.L_overlay_start_0:
0x88: {  	s2 =	sld [smem:$0x3FD9]  }
0x89: {  	s3 =	sld [smem:$0x3FFE];
	_ =	sdelay $0x1  }
0x8a: {  	s1 =	srdreg.scid  }
0x8b: {  	s0 =	sand.u32 $0x1, s1  }
0x8c: {  	s16 =	sshll.u32 s0, $0xA;
	s2 =	sadd.s32 s3, s2  }
0x8d: {  	s2 =	sadd.s32 s2, s16  }
0x8e: {  	[smem:$0x3FB7] =	sst s2  }
0x8f: {  	_ = 	snop  }
0x90: {  	(tm) =	ssettm $0x1  }
0x91: {  	s17 =	sld [smem:$0x3FFB];
	_ =	sdelay $0x3  }
0x92: {  	_ =	strace s17  }
0x93: {  	s2 =	sld [smem:$0x3FFC];
	_ =	sdelay $0x3  }
0x94: {  	_ =	strace s2  }
0x95: {  	s2 =	sld [smem:$0x3FFD];
	_ =	sdelay $0x3  }
0x96: {  	_ =	strace s2  }
0x97: {  	_ =	strace $0x8FFFFFFF  }
0x98: {  	s18 =	sld [smem:$0x3FDB];
	_ =	sdelay $0x1  }
0x99: {  	s19 =	simm.s32 $_scs_section_size  }
0x9a: {  	s4 =	simm.s32 $_size__tile_overlayer_lowered;
	s5 =	simm.s32 $_tile_overlayer_lowered  }
0x9b: {  	s22 =	simm.s32 $0x1BFF;
	s21 =	sshll.u32 s5, $0x1;
	s2 =	sadd.s32 s19, s18  }
0x9c: {  	s6 =	simm.s32 $0x0;
	s20 =	sshll.u32 s4, $0x1;
	s4 =	sadd.s32 s21, s2  }
0x9d: {  	[timem:s6], [sflag:s22] =	dma.local [hbm:s4], s20  }
0x9e: {  	_ =	swait.ge [sflag:s22], s20  }
0x9f: {  	s3 =	ssub.s32 $0x0, s20;
	[sflag:s22] =	ssyncset.done $0x0  }
0xa0: {  	[sflag:s22] =	ssyncadd.s32 s3;
	_ =	sdelay $0x1  }
0xa1: {  	s23 =	simm.s32 $0x1B8B  }
0xa2: {  	_ =	swait.ge [sflag:s23], $0x1  }
0xa3: {  	[sflag:s23] =	ssyncset.done $0x0  }
0xa4: {  	s25 =	simm.s32 $0x1B8E;
	s24 =	sld [smem:$0x3FFE];
	[sflag:s23] =	ssyncadd.s32 $0xFFFFFFFF  }
0xa5: {  	s26 =	simm.s32 $execute0_lowered;
	[smem:$0x3FD2] =	sst s25  }
0xa6: {  	s4 =	sshll.u32 s26, $0x1;
	_ =	strace $0x80000049;
	[dreg:$0x1] =	wrdreg $0xFFFFFFFF  }
0xa7: {  	s28 =	simm.s32 $_size_execute0_lowered;
	s2 =	sadd.s32 s2, s4;
	[dreg:$0x0] =	wrdreg $0x0  }
0xa8: {  	s4 =	sshll.u32 s28, $0x1;
	[dreg:$0x2] =	wrdreg s2  }
0xa9: {  	[dreg:$0x3] =	wrdreg s4  }
0xaa: {  	[dreg:$0x4] =	wrdreg $0xC0  }
0xab: {  	_ =	task [dreg:s6], $0x5FFFF  }
0xac: {  	[dreg:$0x1] =	wrdreg $0xFFFFFFFF  }
0xad: {  	[dreg:$0x0] =	wrdreg $0x60  }
0xae: {  	[dreg:$0x2] =	wrdreg s24  }
0xaf: {  	[dreg:$0x3] =	wrdreg $0x0  }
0xb0: {  	[dreg:$0x4] =	wrdreg $0x9  }
0xb1: {  	_ =	task.clear_ibuf [dreg:s6], $0x5FFFF;
	_ =	strace $0x90000049  }
0xb2: {  	s29 =	simm.s32 $0x9;
	_ =	strace $0x8000004B  }
0xb3: {  	_ =	swait.ge [sflag:s29], $0x1  }
0xb4: {  	[sflag:s29] =	ssyncadd.s32 $0xFFFFFFFF  }
0xb5: {  	_ =	strace $0x9000004B  }
0xb6: {  	_ =	sfence  }
0xb7: {  	s30 =	sld [smem:$0x0];
	_ =	sdelay $0x2  }
0xb8: {  	s31 =	sshll.u32 s1, $0xD;
	s1 =	sshrl.u32 s1, $0x2  }
0xb9: {  	s3 =	sand.u32 $0x4000, s31;
	s1 =	sadd.s32 s1, s30  }
0xba: {  	s0 =	sor.u32 s3, s0;
	s1 =	sshll.u32 s1, $0x11  }
0xbb: {  	s0 =	sor.u32 s1, s0  }
0xbc: {  	s0 =	sadd.s32 $0x8F2B, s0  }
0xbd: {  	[sflag:s0] =	ssyncadd.remote.s32 $0x1  }
0xbe: {  	_ =	sfence.sel $0xFFFF  }
0xbf: {  	[dreg:$0x0] =	wrdreg $0xFFFFFFFF;
	(pc) =	sbr.abs _section_cstart, $3  }
0xc0: {  	[dreg:$0x1] =	wrdreg $0xFFFFFFFF  }
0xc1: {  	_ =	task.clear_ibuf [dreg:s6], $0x2FFFF;
	_ =	strace $0x9FFFFFFF  }
0xc2: {  	(tm) =	ssettm $0x7FFFFFFF  }
0xc3: {  	_ =	shalt  }
tec
execute0_lowered:
.L_overlay_start_1:
0x0: {  	(tag) =	ssettag $0x1  }
0x1: {  	s5 =	rddreg [dreg:$0x0]  }
0x2: {  	s0 =	srdreg.scid;
	s1 =	rddreg [dreg:$0x1];
	s3 =	simm.s32 $0x0  }
0x3: {  	s2 =	stileid.u32;
	s12 =	simm.s32 $0x14000;
	s13 =	simm.s32 $0x14080  }
0x4: {  	s14 =	simm.s32 $0x80;
	s15 =	simm.s32 $0x14100;
	s9 =	smul.u32 $0x14000, s2  }
0x5: {  	s16 =	simm.s32 $0x1;
	s19 =	simm.s32 $0x0;
	s29 =	smul.u32 $0x50000, s2  }
0x6: {  	s6 =	sand.u32 $0x1, s0;
	s0 =	rddreg [dreg:$0x2];
	s10 =	smul.u32 $0x4F0, s2  }
0x7: {  	[smem:$0x7FF] =	sst s3;
	s4 =	sadd.s32 $0x18600, s5;
	s7 =	smul.u32 $0x4F00, s6  }
0x8: {  	s17 =	sshll.u32 s2, $0x6;
	s8 =	smul.u32 $0x140000, s6;
	s6 =	ssub.s32 $0x2, s6  }
0x9: {  	_ =	strace $0x8000004A;
	s17 =	sor.u32 $0x1C02, s17;
	s30 =	sshrl.u32 s6, $0x1  }
0xa: {  	s7 =	sadd.s32 s7, s5;
	s8 =	sadd.s32 s9, s8;
	s9 =	sshrl.u32 s29, $0x2  }
0xb: {  	s11 =	ssub.s32 s6, s30;
	s8 =	sshrl.u32 s8, $0x3;
	s31 =	sadd.s32 s10, s7  }
0xc: {  	s7 =	smax.u32 s11, $0x1;
	s10 =	simm.s32 $0x18100;
	s11 =	simm.s32 $0x2  }
0xd: {  	s8 =	sadd.s32 s8, s5;
	s5 =	sadd.s32 s9, s1;
	s9 =	sadd.s32 $0xE800, s31  }
0xe: {  	v0 =	vimm.f32 $0.0e+00;
	s6 =	sadd.s32 $0x3F800, s8;
	s8 =	sadd.s32 $0x4A00, s31;
	s18 =	sshrl.u32 s5, $0x3  }
.LBB2_1:
0xf: {  	s20 =	simm.s32 $0x0;
	s21 =	simm.s32 $0x200  }
.LBB2_2:
0x10: {  	p0 =	sne.s32 s21, $0x1E00;
	[tilespmem:s20+$0x18170] =	vst v0  }
0x11: {  	[tilespmem:s20+$0x18100] =	vst v0  }
0x12: {  	[tilespmem:s20+$0x18110] =	vst v0  }
.Ltmp0:
0x13: {  	[tilespmem:s20+$0x18120] =	vst v0;
	(pc) =	sbr.rel @p0 .LBB2_2-.Ltmp0, $4  }
0x14: {  	[tilespmem:s20+$0x18130] =	vst v0  }
0x15: {  	[tilespmem:s20+$0x18140] =	vst v0  }
0x16: {  	[tilespmem:s20+$0x18150] =	vst v0  }
0x17: {  	[tilespmem:s20+$0x18160] =	vst v0;
	s20 =	sshra.s32 s21, $0x2;
	s21 =	sadd.s32 $0x200, s21  }
0x18: {  	[tilespmem:s20+$0x18170] =	vst v0  }
0x19: {  	[tilespmem:s20+$0x18100] =	vst v0  }
0x1a: {  	[tilespmem:s20+$0x18110] =	vst v0  }
0x1b: {  	[tilespmem:s20+$0x18120] =	vst v0  }
0x1c: {  	[tilespmem:s20+$0x18130] =	vst v0  }
0x1d: {  	[tilespmem:s20+$0x18140] =	vst v0  }
0x1e: {  	[tilespmem:s20+$0x18150] =	vst v0  }
0x1f: {  	[tilespmem:s20+$0x18160] =	vst v0;
	s31 =	sadd.s32 $0x0, s5  }
0x20: {  	[spmem:s31] =	stream.linear.scatter [tilespmem:s10], [sflag:$0x2], $0x800, $0x38;
	[tilespmem:$0x18900] =	vst v63  }
0x21: {  	s20 =	simm.s32 $0x2000;
	_ =	swait.ge [sflag:s11], $0x800  }
.LBB2_4:
0x22: {  	s21 =	sshra.s32 s20, $0x2;
	[sflag:s11] =	ssyncset.done $0x0;
	p0 =	sne.s32 s20, $0x4E000  }
.Ltmp1:
0x23: {  	s21 =	sadd.s32 s21, s5;
	[sflag:s11] =	ssyncadd.s32 $0xFFFFF800;
	(pc) =	sbr.rel @p0 .LBB2_4-.Ltmp1, $3  }
0x24: {  	[spmem:s21] =	stream.linear.scatter [tilespmem:s10], [sflag:$0x2], $0x800, $0x38;
	[tilespmem:$0x18900] =	vst v63  }
0x25: {  	s20 =	sadd.s32 $0x2000, s20;
	_ =	sdelay $0x1  }
0x26: {  	_ =	swait.ge [sflag:s11], $0x800  }
0x27: {  	[sflag:s11] =	ssyncset.done $0x0  }
0x28: {  	[sflag:s11] =	ssyncadd.s32 $0xFFFFF800  }
0x29: {  	s20 =	sadd.s32 $0x0, s8;
	[bflag:$0x0] =	sbarrier.arrive $0xFFFF  }
0x2a: {  	[tilespmem:s12], [sflag:$0x2] =	stream.linear.gather [hbm4b:s20+s3], $0x80, $0x38;
	[tilespmem:$0x18900] =	vst v63  }
0x2b: {  	_ =	swait.ge [sflag:s11], $0x80  }
0x2c: {  	[sflag:s11] =	ssyncset.done $0x0  }
0x2d: {  	s31 =	sadd.s32 $0x0, s9;
	[sflag:s11] =	ssyncadd.s32 $0xFFFFFF80  }
0x2e: {  	[tilespmem:s13], [sflag:$0x2] =	stream.linear.gather [hbm4b:s31+s3], $0x80, $0x38;
	[tilespmem:$0x18900] =	vst v63  }
0x2f: {  	_ =	swait.ge [sflag:s11], $0x80  }
0x30: {  	[sflag:s11] =	ssyncset.done $0x0  }
0x31: {  	[sflag:s11] =	ssyncadd.s32 $0xFFFFFF80  }
0x32: {  	[tilespmem:s15], [sflag:$0x1] =	stream.indirect.gather [hbm4b:s4+s14], $0x80, s12, s14, $0xb8;
	[tilespmem:$0x18900] =	vst v63  }
0x33: {  	_ =	swait.ge [sflag:s16], $0x4000  }
0x34: {  	[sflag:s16] =	ssyncset.done $0x0  }
0x35: {  	[sflag:s16] =	ssyncadd.s32 $0xFFFFC000  }
0x36: {  	[spmem:s1] =	stream.indirect.scatter.add.f32 [tilespmem:s15], [sflag:$0x2], $0x80, s13, s14, $0xb8;
	[tilespmem:$0x18900] =	vst v63  }
0x37: {  	_ =	swait.ge [sflag:s11], $0x4000  }
0x38: {  	s21 =	simm.s32 $0x20;
	s20 =	simm.s32 $0x10;
	[sflag:s11] =	ssyncset.done $0x0  }
.LBB2_6:
0x39: {  	s22 =	sadd.s32 s20, s8  }
0x3a: {  	[sflag:s11] =	ssyncadd.s32 $0xFFFFC000;
	s23 =	smov.u32 s21;
	s24 =	sadd.s32 $0x10, s21  }
0x3b: {  	[tilespmem:s12], [sflag:$0x2] =	stream.linear.gather [hbm4b:s22+s3], $0x80, $0x38;
	[tilespmem:$0x18900] =	vst v63  }
0x3c: {  	p0 =	sne.s32 s21, $0x4E0;
	_ =	swait.ge [sflag:s11], $0x80  }
0x3d: {  	[sflag:s11] =	ssyncset.done $0x0  }
0x3e: {  	s21 =	sadd.s32 s20, s9;
	s20 =	smov.u32 s23;
	[sflag:s11] =	ssyncadd.s32 $0xFFFFFF80  }
0x3f: {  	[tilespmem:s13], [sflag:$0x2] =	stream.linear.gather [hbm4b:s21+s3], $0x80, $0x38;
	[tilespmem:$0x18900] =	vst v63  }
0x40: {  	_ =	swait.ge [sflag:s11], $0x80  }
0x41: {  	[sflag:s11] =	ssyncset.done $0x0  }
0x42: {  	[sflag:s11] =	ssyncadd.s32 $0xFFFFFF80  }
0x43: {  	[tilespmem:s15], [sflag:$0x1] =	stream.indirect.gather [hbm4b:s4+s14], $0x80, s12, s14, $0xb8;
	[tilespmem:$0x18900] =	vst v63  }
0x44: {  	_ =	swait.ge [sflag:s16], $0x4000  }
.Ltmp2:
0x45: {  	[sflag:s16] =	ssyncset.done $0x0;
	(pc) =	sbr.rel @p0 .LBB2_6-.Ltmp2, $4  }
0x46: {  	[sflag:s16] =	ssyncadd.s32 $0xFFFFC000  }
0x47: {  	[spmem:s1] =	stream.indirect.scatter.add.f32 [tilespmem:s15], [sflag:$0x2], $0x80, s13, s14, $0xb8;
	[tilespmem:$0x18900] =	vst v63  }
0x48: {  	_ =	swait.ge [sflag:s11], $0x4000  }
0x49: {  	s21 =	smov.u32 s24;
	[sflag:s11] =	ssyncset.done $0x0  }
0x4a: {  	s21 =	sadd.s32 s20, s8;
	[sflag:s11] =	ssyncadd.s32 $0xFFFFC000  }
0x4b: {  	[tilespmem:s12], [sflag:$0x2] =	stream.linear.gather [hbm4b:s21+s3], $0x80, $0x38;
	[tilespmem:$0x18900] =	vst v63  }
0x4c: {  	_ =	swait.ge [sflag:s11], $0x80  }
0x4d: {  	[sflag:s11] =	ssyncset.done $0x0  }
0x4e: {  	s31 =	sadd.s32 s20, s9;
	[sflag:s11] =	ssyncadd.s32 $0xFFFFFF80  }
0x4f: {  	[tilespmem:s13], [sflag:$0x2] =	stream.linear.gather [hbm4b:s31+s3], $0x80, $0x38;
	[tilespmem:$0x18900] =	vst v63  }
0x50: {  	_ =	swait.ge [sflag:s11], $0x80  }
0x51: {  	[sflag:s11] =	ssyncset.done $0x0  }
0x52: {  	[sflag:s11] =	ssyncadd.s32 $0xFFFFFF80  }
0x53: {  	[tilespmem:s15], [sflag:$0x1] =	stream.indirect.gather [hbm4b:s4+s14], $0x80, s12, s14, $0xb8;
	[tilespmem:$0x18900] =	vst v63  }
0x54: {  	_ =	swait.ge [sflag:s16], $0x4000  }
0x55: {  	[sflag:s16] =	ssyncset.done $0x0  }
0x56: {  	[sflag:s16] =	ssyncadd.s32 $0xFFFFC000  }
0x57: {  	[spmem:s1] =	stream.indirect.scatter.add.f32 [tilespmem:s15], [sflag:$0x2], $0x80, s13, s14, $0xb8;
	[tilespmem:$0x18900] =	vst v63  }
0x58: {  	_ =	swait.ge [sflag:s11], $0x4000  }
0x59: {  	s19 =	sadd.s32 $0x1, s19;
	[sflag:s11] =	ssyncset.done $0x0  }
0x5a: {  	p0 =	sne.s32 s19, s7;
	[sflag:s11] =	ssyncadd.s32 $0xFFFFC000  }
.Ltmp3:
0x5b: {  	[bflag:$0x0] =	sbarrier.arrive $0xFFFF;
	(pc) =	sbr.rel @p0 .LBB2_1-.Ltmp3, $4  }
0x5c: {  	[hbm:s6], [sflag:s17] =	dma.local [spmem:s18], $0x2800  }
0x5d: {  	_ =	swait.ge [sflag:s11], $0x2800  }
0x5e: {  	[sflag:s11] =	ssyncset.done $0x0  }
0x5f: {  	[sflag:s11] =	ssyncadd.s32 $0xFFFFD800  }
0x60: {  	_ =	sfence.sel $0x180000  }
0x61: {  	[bflag:$0x0] =	sbarrier.arrive $0xFFFF  }
0x62: {  	p0 =	sne.s32 s2, $0x0;
	_ =	strace $0x9000004A  }
0x63: {  	s0 =	sadd.s32 @!p0 $0x100000, s0;
	[bflag:$0x2] =	sbarrier.arrive $0xFFFF  }
0x64: {  	[sflag:s0] =	ssyncadd.tile.s32 @!p0 $0x1;
	_ =	shalt  }
.Lfunc_end2:
_tile_overlayer_lowered:
.L_overlay_start_2:
0x65: {  	(tag) =	ssettag $0x2  }
0x66: {  	s0 =	rddreg [dreg:$0x0];
	s2 =	stileid.u32  }
0x67: {  	s1 =	rddreg [dreg:$0x1];
	p0 =	sne.s32 s2, $0x0  }
0x68: {  	s3 =	rddreg [dreg:$0x2];
	[bflag:$0x3] =	sbarrier.arrive $0xFFFF;
	s2 =	simm.s32 @!p0 $0x1C02  }
0x69: {  	[timem:s3], [sflag:s2] =	dma.local @!p0 [hbm:s0], s1  }
0x6a: {  	s0 =	simm.s32 @!p0 $0x2  }
0x6b: {  	_ =	swait.ge @!p0 [sflag:s0], s1  }
0x6c: {  	s1 =	ssub.s32 @!p0 $0x0, s1;
	[sflag:s0] =	ssyncset.done @!p0 $0x0  }
0x6d: {  	[sflag:s0] =	ssyncadd.s32 @!p0 s1  }
0x6e: {  	[bflag:$0x3] =	sbarrier.arrive $0xFFFF  }
0x6f: {  	_ =	shalt  }

// kernel: kernel.16.cloned.1.call-start
scs
__scs_entry_jumppad:
0x0: {  	(pc) =	sbr.rel $0x88, $3  }
0x1: {  	(tag) =	ssettag $0x0;
	lr =	simm.s32 $0x1  }
0x2: {  	[smem:$0x3F90] =	sst lr;
	_ =	strace $0xD0000000  }
0x3: {  	_ = 	snop  }
0x4: {  	_ = 	snop  }
0x5: {  	_ = 	snop  }
0x6: {  	_ = 	snop  }
0x7: {  	_ = 	snop  }
__scs_overlays_trampoline_lowered:
0x8: {  	[smem:$0x3F9F] =	sst s0  }
0x9: {  	[smem:$0x3FA0] =	sst s1  }
0xa: {  	[smem:$0x3FA1] =	sst s2  }
0xb: {  	[smem:$0x3FA2] =	sst s3  }
0xc: {  	[smem:$0x3FA3] =	sst s4  }
0xd: {  	[smem:$0x3FA4] =	sst s5  }
0xe: {  	[smem:$0x3FA5] =	sst s6  }
0xf: {  	[smem:$0x3FA6] =	sst s7  }
0x10: {  	[smem:$0x3FA7] =	sst s8  }
0x11: {  	[smem:$0x3FA8] =	sst s9;
	s0 =	simm.s32 @!p0 $0x0  }
0x12: {  	s1 =	sld [smem:$0x3F8E];
	s0 =	simm.s32 @p0 $0x1  }
0x13: {  	[smem:$0x3FA9] =	sst s0;
	s0 =	simm.s32 @!p1 $0x0  }
0x14: {  	s2 =	sld [smem:$0x3F8D];
	s0 =	simm.s32 @p1 $0x1  }
0x15: {  	[smem:$0x3FAA] =	sst s0;
	s0 =	simm.s32 @!p2 $0x0  }
0x16: {  	s3 =	sld [smem:$0x3FDB];
	s0 =	simm.s32 @p2 $0x1  }
0x17: {  	s4 =	simm.s32 $0x1BF5;
	[smem:$0x3FAC] =	sst s0  }
0x18: {  	s0 =	sld [smem:$0x3F8F];
	_ =	swait.ge [sflag:s4], $0x0  }
0x19: {  	s7 =	sld [smem:$0x3F90]  }
0x1a: {  	s8 =	sadd.s32 $0xFFFFE003, lr  }
0x1b: {  	s9 =	sadd.s32 $0xFFFFFEF7, lr;
	s5 =	simm.s32 $0xFFFFFFFF;
	p2 =	slt.u32 s8, $0xFFFFF086  }
0x1c: {  	p1 =	slt.u32 s9, $0xF7A;
	s5 =	simm.s32 @!p2 $0x0  }
0x1d: {  	s5 =	simm.s32 @p1 $0x1;
	p0 =	seq.s32 s7, s2  }
0x1e: {  	s7 =	smul.u32 @!p0 $0xF7A, s2;
	p2 =	seq.s32 @!p0 s5, $0x0  }
0x1f: {  	s9 =	smul.u32 $0xF7A, s1;
	s8 =	simm.s32 @!p0 $0x1BF5;
	p2 =	por !p2, p0  }
0x20: {  	[sflag:s8] =	ssyncset.s32 @!p0 $0xFFFFF086;
	s6 =	sadd.s32 @!p0 s3, s7;
	s7 =	simm.s32 @!p0 $0x108  }
0x21: {  	s3 =	sadd.s32 s3, s9;
	s6 =	sadd.s32 @!p0 $0x88, s6;
	s7 =	simm.s32 @p2 $0x1082  }
0x22: {  	[simem:s7], [sflag:s8] =	dma.local @!p0 [hbm:s6], $0xF7A  }
0x23: {  	s9 =	sor.u32 $0xD0000000, s2;
	s6 =	simm.s32 $0x108;
	_ =	swait.ge @!p0 [sflag:s8], $0x0  }
0x24: {  	s3 =	sadd.s32 $0x88, s3;
	s6 =	simm.s32 @!p1 $0x1082;
	[sflag:s4] =	ssyncset.s32 $0xFFFFF086  }
0x25: {  	[simem:s6], [sflag:s4] =	dma.local [hbm:s3], $0xF7A  }
0x26: {  	[smem:$0x3F90] =	sst s1;
	(tag) =	ssettag s2;
	_ =	strace s9  }
0x27: {  	s1 =	sld [smem:$0x3FA0]  }
0x28: {  	s2 =	sld [smem:$0x3FA1]  }
0x29: {  	s4 =	sld [smem:$0x3FA3]  }
0x2a: {  	p0 =	seq.s32 s5, $0x0;
	s5 =	sld [smem:$0x3FA4]  }
0x2b: {  	s6 =	sld [smem:$0x3FA5]  }
0x2c: {  	s7 =	sld [smem:$0x3FA6]  }
0x2d: {  	s3 =	simm.s32 $0x108;
	s8 =	sld [smem:$0x3FA7]  }
0x2e: {  	s3 =	simm.s32 @!p0 $0x1082;
	s9 =	sld [smem:$0x3FA8]  }
0x2f: {  	lr =	sadd.s32 s0, s3;
	s0 =	sld [smem:$0x3F9F]  }
0x30: {  	s3 =	sld [smem:$0x3FA2]  }
0x31: {  	[smem:$0x3FAB] =	sst s10  }
0x32: {  	s10 =	sld [smem:$0x3FA9];
	_ =	sdelay $0x3  }
0x33: {  	p0 =	seq.s32 s10, $0x1;
	s10 =	sld [smem:$0x3FAB];
	_ =	sdelay $0x3  }
0x34: {  	[smem:$0x3FAB] =	sst s10  }
0x35: {  	s10 =	sld [smem:$0x3FAA];
	_ =	sdelay $0x3  }
0x36: {  	p1 =	seq.s32 s10, $0x1;
	s10 =	sld [smem:$0x3FAB];
	_ =	sdelay $0x3  }
0x37: {  	[smem:$0x3FAB] =	sst s10  }
0x38: {  	s10 =	sld [smem:$0x3FAC]  }
0x39: {  	_ = 	snop;
	(pc) =	sbr.ind lr, $3  }
0x3a: {  	_ = 	snop  }
0x3b: {  	_ = 	snop  }
0x3c: {  	p2 =	seq.s32 s10, $0x1;
	s10 =	sld [smem:$0x3FAB]  }
0x3d: {  	_ =	shalt  }
0x3e: {  	_ =	shalt  }
0x3f: {  	_ =	shalt  }
0x40: {  	_ =	shalt  }
0x41: {  	_ =	shalt  }
0x42: {  	_ =	shalt  }
0x43: {  	_ =	shalt  }
0x44: {  	_ =	shalt  }
0x45: {  	_ =	shalt  }
0x46: {  	_ =	shalt  }
0x47: {  	_ =	shalt  }
0x48: {  	_ =	shalt  }
0x49: {  	_ =	shalt  }
0x4a: {  	_ =	shalt  }
0x4b: {  	_ =	shalt  }
0x4c: {  	_ =	shalt  }
0x4d: {  	_ =	shalt  }
0x4e: {  	_ =	shalt  }
0x4f: {  	_ =	shalt  }
0x50: {  	_ =	shalt  }
0x51: {  	_ =	shalt  }
0x52: {  	_ =	shalt  }
0x53: {  	_ =	shalt  }
0x54: {  	_ =	shalt  }
0x55: {  	_ =	shalt  }
0x56: {  	_ =	shalt  }
0x57: {  	_ =	shalt  }
0x58: {  	_ =	shalt  }
0x59: {  	_ =	shalt  }
0x5a: {  	_ =	shalt  }
0x5b: {  	_ =	shalt  }
0x5c: {  	_ =	shalt  }
0x5d: {  	_ =	shalt  }
0x5e: {  	_ =	shalt  }
0x5f: {  	_ =	shalt  }
0x60: {  	_ =	shalt  }
0x61: {  	_ =	shalt  }
0x62: {  	_ =	shalt  }
0x63: {  	_ =	shalt  }
0x64: {  	_ =	shalt  }
0x65: {  	_ =	shalt  }
0x66: {  	_ =	shalt  }
0x67: {  	_ =	shalt  }
0x68: {  	_ =	shalt  }
0x69: {  	_ =	shalt  }
0x6a: {  	_ =	shalt  }
0x6b: {  	_ =	shalt  }
0x6c: {  	_ =	shalt  }
0x6d: {  	_ =	shalt  }
0x6e: {  	_ =	shalt  }
0x6f: {  	_ =	shalt  }
0x70: {  	_ =	shalt  }
0x71: {  	_ =	shalt  }
0x72: {  	_ =	shalt  }
0x73: {  	_ =	shalt  }
0x74: {  	_ =	shalt  }
0x75: {  	_ =	shalt  }
0x76: {  	_ =	shalt  }
0x77: {  	_ =	shalt  }
0x78: {  	_ =	shalt  }
0x79: {  	_ =	shalt  }
0x7a: {  	_ =	shalt  }
0x7b: {  	_ =	shalt  }
0x7c: {  	_ =	shalt  }
0x7d: {  	_ =	shalt  }
0x7e: {  	_ =	shalt  }
0x7f: {  	_ =	shalt  }
0x80: {  	_ =	shalt  }
0x81: {  	_ =	shalt  }
0x82: {  	_ =	shalt  }
0x83: {  	_ =	shalt  }
0x84: {  	_ =	shalt  }
0x85: {  	_ =	shalt  }
0x86: {  	_ =	shalt  }
0x87: {  	_ =	shalt  }
.Lfunc_end0:
.L_simem_size_0:
called_computation.2_lowered:
.L_overlay_start_0:
0x88: {  	s2 =	sld [smem:$0x3FD9]  }
0x89: {  	s3 =	sld [smem:$0x3FFE];
	_ =	sdelay $0x1  }
0x8a: {  	s1 =	srdreg.scid  }
0x8b: {  	s0 =	sand.u32 $0x1, s1  }
0x8c: {  	s16 =	sshll.u32 s0, $0xA;
	s2 =	sadd.s32 s3, s2  }
0x8d: {  	s2 =	sadd.s32 s2, s16  }
0x8e: {  	[smem:$0x3FB7] =	sst s2  }
0x8f: {  	_ = 	snop  }
0x90: {  	(tm) =	ssettm $0x1  }
0x91: {  	s17 =	sld [smem:$0x3FFB];
	_ =	sdelay $0x3  }
0x92: {  	_ =	strace s17  }
0x93: {  	s2 =	sld [smem:$0x3FFC];
	_ =	sdelay $0x3  }
0x94: {  	_ =	strace s2  }
0x95: {  	s2 =	sld [smem:$0x3FFD];
	_ =	sdelay $0x3  }
0x96: {  	_ =	strace s2  }
0x97: {  	_ =	strace $0x8FFFFFFF  }
0x98: {  	s18 =	sld [smem:$0x3FDB];
	_ =	sdelay $0x1  }
0x99: {  	s19 =	simm.s32 $_scs_section_size  }
0x9a: {  	s4 =	simm.s32 $_size__tile_overlayer_lowered;
	s5 =	simm.s32 $_tile_overlayer_lowered  }
0x9b: {  	s22 =	simm.s32 $0x1BFF;
	s21 =	sshll.u32 s5, $0x1;
	s2 =	sadd.s32 s19, s18  }
0x9c: {  	s6 =	simm.s32 $0x0;
	s20 =	sshll.u32 s4, $0x1;
	s4 =	sadd.s32 s21, s2  }
0x9d: {  	[timem:s6], [sflag:s22] =	dma.local [hbm:s4], s20  }
0x9e: {  	_ =	swait.ge [sflag:s22], s20  }
0x9f: {  	s3 =	ssub.s32 $0x0, s20;
	[sflag:s22] =	ssyncset.done $0x0  }
0xa0: {  	[sflag:s22] =	ssyncadd.s32 s3;
	_ =	sdelay $0x1  }
0xa1: {  	s23 =	simm.s32 $0x1B8B  }
0xa2: {  	_ =	swait.ge [sflag:s23], $0x1  }
0xa3: {  	[sflag:s23] =	ssyncset.done $0x0  }
0xa4: {  	s25 =	simm.s32 $0x1B8E;
	s24 =	sld [smem:$0x3FFE];
	[sflag:s23] =	ssyncadd.s32 $0xFFFFFFFF  }
0xa5: {  	s26 =	simm.s32 $execute0_lowered;
	[smem:$0x3FD2] =	sst s25  }
0xa6: {  	s4 =	sshll.u32 s26, $0x1;
	_ =	strace $0x8000004C;
	[dreg:$0x1] =	wrdreg $0xFFFFFFFF  }
0xa7: {  	s28 =	simm.s32 $_size_execute0_lowered;
	s2 =	sadd.s32 s2, s4;
	[dreg:$0x0] =	wrdreg $0x0  }
0xa8: {  	s4 =	sshll.u32 s28, $0x1;
	[dreg:$0x2] =	wrdreg s2  }
0xa9: {  	[dreg:$0x3] =	wrdreg s4  }
0xaa: {  	[dreg:$0x4] =	wrdreg $0xC0  }
0xab: {  	_ =	task [dreg:s6], $0x5FFFF  }
0xac: {  	[dreg:$0x1] =	wrdreg $0xFFFFFFFF  }
0xad: {  	[dreg:$0x0] =	wrdreg $0x60  }
0xae: {  	[dreg:$0x2] =	wrdreg s24  }
0xaf: {  	[dreg:$0x3] =	wrdreg $0x0  }
0xb0: {  	[dreg:$0x4] =	wrdreg $0x9  }
0xb1: {  	_ =	task.clear_ibuf [dreg:s6], $0x5FFFF;
	_ =	strace $0x9000004C  }
0xb2: {  	s29 =	simm.s32 $0x9;
	_ =	strace $0x8000004E  }
0xb3: {  	_ =	swait.ge [sflag:s29], $0x1  }
0xb4: {  	[sflag:s29] =	ssyncadd.s32 $0xFFFFFFFF  }
0xb5: {  	_ =	strace $0x9000004E  }
0xb6: {  	_ =	sfence  }
0xb7: {  	s30 =	sld [smem:$0x0];
	_ =	sdelay $0x2  }
0xb8: {  	s31 =	sshll.u32 s1, $0xD;
	s1 =	sshrl.u32 s1, $0x2  }
0xb9: {  	s3 =	sand.u32 $0x4000, s31;
	s1 =	sadd.s32 s1, s30  }
0xba: {  	s0 =	sor.u32 s3, s0;
	s1 =	sshll.u32 s1, $0x11  }
0xbb: {  	s0 =	sor.u32 s1, s0  }
0xbc: {  	s0 =	sadd.s32 $0x8F2B, s0  }
0xbd: {  	[sflag:s0] =	ssyncadd.remote.s32 $0x1  }
0xbe: {  	_ =	sfence.sel $0xFFFF  }
0xbf: {  	[dreg:$0x0] =	wrdreg $0xFFFFFFFF;
	(pc) =	sbr.abs _section_cstart, $3  }
0xc0: {  	[dreg:$0x1] =	wrdreg $0xFFFFFFFF  }
0xc1: {  	_ =	task.clear_ibuf [dreg:s6], $0x2FFFF;
	_ =	strace $0x9FFFFFFF  }
0xc2: {  	(tm) =	ssettm $0x7FFFFFFF  }
0xc3: {  	_ =	shalt  }
tec
execute0_lowered:
.L_overlay_start_1:
0x0: {  	(tag) =	ssettag $0x1  }
0x1: {  	s5 =	rddreg [dreg:$0x0]  }
0x2: {  	s0 =	srdreg.scid;
	s1 =	rddreg [dreg:$0x1];
	s3 =	simm.s32 $0x0  }
0x3: {  	s2 =	stileid.u32;
	s12 =	simm.s32 $0x14000;
	s13 =	simm.s32 $0x14080  }
0x4: {  	s14 =	simm.s32 $0x80;
	s15 =	simm.s32 $0x14100;
	s9 =	smul.u32 $0x14000, s2  }
0x5: {  	s16 =	simm.s32 $0x1;
	s19 =	simm.s32 $0x0;
	s29 =	smul.u32 $0x50000, s2  }
0x6: {  	s6 =	sand.u32 $0x1, s0;
	s0 =	rddreg [dreg:$0x2];
	s10 =	smul.u32 $0x4F0, s2  }
0x7: {  	[smem:$0x7FF] =	sst s3;
	s4 =	sadd.s32 $0x18600, s5;
	s7 =	smul.u32 $0x4F00, s6  }
0x8: {  	s17 =	sshll.u32 s2, $0x6;
	s8 =	smul.u32 $0x140000, s6;
	s6 =	ssub.s32 $0x2, s6  }
0x9: {  	_ =	strace $0x8000004D;
	s17 =	sor.u32 $0x1C02, s17;
	s30 =	sshrl.u32 s6, $0x1  }
0xa: {  	s7 =	sadd.s32 s7, s5;
	s8 =	sadd.s32 s9, s8;
	s9 =	sshrl.u32 s29, $0x2  }
0xb: {  	s11 =	ssub.s32 s6, s30;
	s8 =	sshrl.u32 s8, $0x3;
	s31 =	sadd.s32 s10, s7  }
0xc: {  	s7 =	smax.u32 s11, $0x1;
	s10 =	simm.s32 $0x18100;
	s11 =	simm.s32 $0x2  }
0xd: {  	s8 =	sadd.s32 s8, s5;
	s5 =	sadd.s32 s9, s1;
	s9 =	sadd.s32 $0xE800, s31  }
0xe: {  	v0 =	vimm.f32 $0.0e+00;
	s6 =	sadd.s32 $0x3F800, s8;
	s8 =	sadd.s32 $0x4A00, s31;
	s18 =	sshrl.u32 s5, $0x3  }
.LBB2_1:
0xf: {  	s20 =	simm.s32 $0x0;
	s21 =	simm.s32 $0x200  }
.LBB2_2:
0x10: {  	p0 =	sne.s32 s21, $0x1E00;
	[tilespmem:s20+$0x18170] =	vst v0  }
0x11: {  	[tilespmem:s20+$0x18100] =	vst v0  }
0x12: {  	[tilespmem:s20+$0x18110] =	vst v0  }
.Ltmp0:
0x13: {  	[tilespmem:s20+$0x18120] =	vst v0;
	(pc) =	sbr.rel @p0 .LBB2_2-.Ltmp0, $4  }
0x14: {  	[tilespmem:s20+$0x18130] =	vst v0  }
0x15: {  	[tilespmem:s20+$0x18140] =	vst v0  }
0x16: {  	[tilespmem:s20+$0x18150] =	vst v0  }
0x17: {  	[tilespmem:s20+$0x18160] =	vst v0;
	s20 =	sshra.s32 s21, $0x2;
	s21 =	sadd.s32 $0x200, s21  }
0x18: {  	[tilespmem:s20+$0x18170] =	vst v0  }
0x19: {  	[tilespmem:s20+$0x18100] =	vst v0  }
0x1a: {  	[tilespmem:s20+$0x18110] =	vst v0  }
0x1b: {  	[tilespmem:s20+$0x18120] =	vst v0  }
0x1c: {  	[tilespmem:s20+$0x18130] =	vst v0  }
0x1d: {  	[tilespmem:s20+$0x18140] =	vst v0  }
0x1e: {  	[tilespmem:s20+$0x18150] =	vst v0  }
0x1f: {  	[tilespmem:s20+$0x18160] =	vst v0;
	s31 =	sadd.s32 $0x0, s5  }
0x20: {  	[spmem:s31] =	stream.linear.scatter [tilespmem:s10], [sflag:$0x2], $0x800, $0x38;
	[tilespmem:$0x18900] =	vst v63  }
0x21: {  	s20 =	simm.s32 $0x2000;
	_ =	swait.ge [sflag:s11], $0x800  }
.LBB2_4:
0x22: {  	s21 =	sshra.s32 s20, $0x2;
	[sflag:s11] =	ssyncset.done $0x0;
	p0 =	sne.s32 s20, $0x4E000  }
.Ltmp1:
0x23: {  	s21 =	sadd.s32 s21, s5;
	[sflag:s11] =	ssyncadd.s32 $0xFFFFF800;
	(pc) =	sbr.rel @p0 .LBB2_4-.Ltmp1, $3  }
0x24: {  	[spmem:s21] =	stream.linear.scatter [tilespmem:s10], [sflag:$0x2], $0x800, $0x38;
	[tilespmem:$0x18900] =	vst v63  }
0x25: {  	s20 =	sadd.s32 $0x2000, s20;
	_ =	sdelay $0x1  }
0x26: {  	_ =	swait.ge [sflag:s11], $0x800  }
0x27: {  	[sflag:s11] =	ssyncset.done $0x0  }
0x28: {  	[sflag:s11] =	ssyncadd.s32 $0xFFFFF800  }
0x29: {  	s20 =	sadd.s32 $0x0, s8;
	[bflag:$0x0] =	sbarrier.arrive $0xFFFF  }
0x2a: {  	[tilespmem:s12], [sflag:$0x2] =	stream.linear.gather [hbm4b:s20+s3], $0x80, $0x38;
	[tilespmem:$0x18900] =	vst v63  }
0x2b: {  	_ =	swait.ge [sflag:s11], $0x80  }
0x2c: {  	[sflag:s11] =	ssyncset.done $0x0  }
0x2d: {  	s31 =	sadd.s32 $0x0, s9;
	[sflag:s11] =	ssyncadd.s32 $0xFFFFFF80  }
0x2e: {  	[tilespmem:s13], [sflag:$0x2] =	stream.linear.gather [hbm4b:s31+s3], $0x80, $0x38;
	[tilespmem:$0x18900] =	vst v63  }
0x2f: {  	_ =	swait.ge [sflag:s11], $0x80  }
0x30: {  	[sflag:s11] =	ssyncset.done $0x0  }
0x31: {  	[sflag:s11] =	ssyncadd.s32 $0xFFFFFF80  }
0x32: {  	[tilespmem:s15], [sflag:$0x1] =	stream.indirect.gather [hbm4b:s4+s14], $0x80, s12, s14, $0xb8;
	[tilespmem:$0x18900] =	vst v63  }
0x33: {  	_ =	swait.ge [sflag:s16], $0x4000  }
0x34: {  	[sflag:s16] =	ssyncset.done $0x0  }
0x35: {  	[sflag:s16] =	ssyncadd.s32 $0xFFFFC000  }
0x36: {  	[spmem:s1] =	stream.indirect.scatter.add.f32 [tilespmem:s15], [sflag:$0x2], $0x80, s13, s14, $0xb8;
	[tilespmem:$0x18900] =	vst v63  }
0x37: {  	_ =	swait.ge [sflag:s11], $0x4000  }
0x38: {  	s21 =	simm.s32 $0x20;
	s20 =	simm.s32 $0x10;
	[sflag:s11] =	ssyncset.done $0x0  }
.LBB2_6:
0x39: {  	s22 =	sadd.s32 s20, s8  }
0x3a: {  	[sflag:s11] =	ssyncadd.s32 $0xFFFFC000;
	s23 =	smov.u32 s21;
	s24 =	sadd.s32 $0x10, s21  }
0x3b: {  	[tilespmem:s12], [sflag:$0x2] =	stream.linear.gather [hbm4b:s22+s3], $0x80, $0x38;
	[tilespmem:$0x18900] =	vst v63  }
0x3c: {  	p0 =	sne.s32 s21, $0x4E0;
	_ =	swait.ge [sflag:s11], $0x80  }
0x3d: {  	[sflag:s11] =	ssyncset.done $0x0  }
0x3e: {  	s21 =	sadd.s32 s20, s9;
	s20 =	smov.u32 s23;
	[sflag:s11] =	ssyncadd.s32 $0xFFFFFF80  }
0x3f: {  	[tilespmem:s13], [sflag:$0x2] =	stream.linear.gather [hbm4b:s21+s3], $0x80, $0x38;
	[tilespmem:$0x18900] =	vst v63  }
0x40: {  	_ =	swait.ge [sflag:s11], $0x80  }
0x41: {  	[sflag:s11] =	ssyncset.done $0x0  }
0x42: {  	[sflag:s11] =	ssyncadd.s32 $0xFFFFFF80  }
0x43: {  	[tilespmem:s15], [sflag:$0x1] =	stream.indirect.gather [hbm4b:s4+s14], $0x80, s12, s14, $0xb8;
	[tilespmem:$0x18900] =	vst v63  }
0x44: {  	_ =	swait.ge [sflag:s16], $0x4000  }
.Ltmp2:
0x45: {  	[sflag:s16] =	ssyncset.done $0x0;
	(pc) =	sbr.rel @p0 .LBB2_6-.Ltmp2, $4  }
0x46: {  	[sflag:s16] =	ssyncadd.s32 $0xFFFFC000  }
0x47: {  	[spmem:s1] =	stream.indirect.scatter.add.f32 [tilespmem:s15], [sflag:$0x2], $0x80, s13, s14, $0xb8;
	[tilespmem:$0x18900] =	vst v63  }
0x48: {  	_ =	swait.ge [sflag:s11], $0x4000  }
0x49: {  	s21 =	smov.u32 s24;
	[sflag:s11] =	ssyncset.done $0x0  }
0x4a: {  	s21 =	sadd.s32 s20, s8;
	[sflag:s11] =	ssyncadd.s32 $0xFFFFC000  }
0x4b: {  	[tilespmem:s12], [sflag:$0x2] =	stream.linear.gather [hbm4b:s21+s3], $0x80, $0x38;
	[tilespmem:$0x18900] =	vst v63  }
0x4c: {  	_ =	swait.ge [sflag:s11], $0x80  }
0x4d: {  	[sflag:s11] =	ssyncset.done $0x0  }
0x4e: {  	s31 =	sadd.s32 s20, s9;
	[sflag:s11] =	ssyncadd.s32 $0xFFFFFF80  }
0x4f: {  	[tilespmem:s13], [sflag:$0x2] =	stream.linear.gather [hbm4b:s31+s3], $0x80, $0x38;
	[tilespmem:$0x18900] =	vst v63  }
0x50: {  	_ =	swait.ge [sflag:s11], $0x80  }
0x51: {  	[sflag:s11] =	ssyncset.done $0x0  }
0x52: {  	[sflag:s11] =	ssyncadd.s32 $0xFFFFFF80  }
0x53: {  	[tilespmem:s15], [sflag:$0x1] =	stream.indirect.gather [hbm4b:s4+s14], $0x80, s12, s14, $0xb8;
	[tilespmem:$0x18900] =	vst v63  }
0x54: {  	_ =	swait.ge [sflag:s16], $0x4000  }
0x55: {  	[sflag:s16] =	ssyncset.done $0x0  }
0x56: {  	[sflag:s16] =	ssyncadd.s32 $0xFFFFC000  }
0x57: {  	[spmem:s1] =	stream.indirect.scatter.add.f32 [tilespmem:s15], [sflag:$0x2], $0x80, s13, s14, $0xb8;
	[tilespmem:$0x18900] =	vst v63  }
0x58: {  	_ =	swait.ge [sflag:s11], $0x4000  }
0x59: {  	s19 =	sadd.s32 $0x1, s19;
	[sflag:s11] =	ssyncset.done $0x0  }
0x5a: {  	p0 =	sne.s32 s19, s7;
	[sflag:s11] =	ssyncadd.s32 $0xFFFFC000  }
.Ltmp3:
0x5b: {  	[bflag:$0x0] =	sbarrier.arrive $0xFFFF;
	(pc) =	sbr.rel @p0 .LBB2_1-.Ltmp3, $4  }
0x5c: {  	[hbm:s6], [sflag:s17] =	dma.local [spmem:s18], $0x2800  }
0x5d: {  	_ =	swait.ge [sflag:s11], $0x2800  }
0x5e: {  	[sflag:s11] =	ssyncset.done $0x0  }
0x5f: {  	[sflag:s11] =	ssyncadd.s32 $0xFFFFD800  }
0x60: {  	_ =	sfence.sel $0x180000  }
0x61: {  	[bflag:$0x0] =	sbarrier.arrive $0xFFFF  }
0x62: {  	p0 =	sne.s32 s2, $0x0;
	_ =	strace $0x9000004D  }
0x63: {  	s0 =	sadd.s32 @!p0 $0x100000, s0;
	[bflag:$0x2] =	sbarrier.arrive $0xFFFF  }
0x64: {  	[sflag:s0] =	ssyncadd.tile.s32 @!p0 $0x1;
	_ =	shalt  }
.Lfunc_end2:
_tile_overlayer_lowered:
.L_overlay_start_2:
0x65: {  	(tag) =	ssettag $0x2  }
0x66: {  	s0 =	rddreg [dreg:$0x0];
	s2 =	stileid.u32  }
0x67: {  	s1 =	rddreg [dreg:$0x1];
	p0 =	sne.s32 s2, $0x0  }
0x68: {  	s3 =	rddreg [dreg:$0x2];
	[bflag:$0x3] =	sbarrier.arrive $0xFFFF;
	s2 =	simm.s32 @!p0 $0x1C02  }
0x69: {  	[timem:s3], [sflag:s2] =	dma.local @!p0 [hbm:s0], s1  }
0x6a: {  	s0 =	simm.s32 @!p0 $0x2  }
0x6b: {  	_ =	swait.ge @!p0 [sflag:s0], s1  }
0x6c: {  	s1 =	ssub.s32 @!p0 $0x0, s1;
	[sflag:s0] =	ssyncset.done @!p0 $0x0  }
0x6d: {  	[sflag:s0] =	ssyncadd.s32 @!p0 s1  }
0x6e: {  	[bflag:$0x3] =	sbarrier.arrive $0xFFFF  }
0x6f: {  	_ =	shalt  }

// kernel: kernel.19.cloned.1.call-start
scs
__scs_entry_jumppad:
0x0: {  	(pc) =	sbr.rel $0x88, $3  }
0x1: {  	(tag) =	ssettag $0x0;
	lr =	simm.s32 $0x1  }
0x2: {  	[smem:$0x3F90] =	sst lr;
	_ =	strace $0xD0000000  }
0x3: {  	_ = 	snop  }
0x4: {  	_ = 	snop  }
0x5: {  	_ = 	snop  }
0x6: {  	_ = 	snop  }
0x7: {  	_ = 	snop  }
__scs_overlays_trampoline_lowered:
0x8: {  	[smem:$0x3F9F] =	sst s0  }
0x9: {  	[smem:$0x3FA0] =	sst s1  }
0xa: {  	[smem:$0x3FA1] =	sst s2  }
0xb: {  	[smem:$0x3FA2] =	sst s3  }
0xc: {  	[smem:$0x3FA3] =	sst s4  }
0xd: {  	[smem:$0x3FA4] =	sst s5  }
0xe: {  	[smem:$0x3FA5] =	sst s6  }
0xf: {  	[smem:$0x3FA6] =	sst s7  }
0x10: {  	[smem:$0x3FA7] =	sst s8  }
0x11: {  	[smem:$0x3FA8] =	sst s9;
	s0 =	simm.s32 @!p0 $0x0  }
0x12: {  	s1 =	sld [smem:$0x3F8E];
	s0 =	simm.s32 @p0 $0x1  }
0x13: {  	[smem:$0x3FA9] =	sst s0;
	s0 =	simm.s32 @!p1 $0x0  }
0x14: {  	s2 =	sld [smem:$0x3F8D];
	s0 =	simm.s32 @p1 $0x1  }
0x15: {  	[smem:$0x3FAA] =	sst s0;
	s0 =	simm.s32 @!p2 $0x0  }
0x16: {  	s3 =	sld [smem:$0x3FDB];
	s0 =	simm.s32 @p2 $0x1  }
0x17: {  	s4 =	simm.s32 $0x1BF5;
	[smem:$0x3FAC] =	sst s0  }
0x18: {  	s0 =	sld [smem:$0x3F8F];
	_ =	swait.ge [sflag:s4], $0x0  }
0x19: {  	s7 =	sld [smem:$0x3F90]  }
0x1a: {  	s8 =	sadd.s32 $0xFFFFE003, lr  }
0x1b: {  	s9 =	sadd.s32 $0xFFFFFEF7, lr;
	s5 =	simm.s32 $0xFFFFFFFF;
	p2 =	slt.u32 s8, $0xFFFFF086  }
0x1c: {  	p1 =	slt.u32 s9, $0xF7A;
	s5 =	simm.s32 @!p2 $0x0  }
0x1d: {  	s5 =	simm.s32 @p1 $0x1;
	p0 =	seq.s32 s7, s2  }
0x1e: {  	s7 =	smul.u32 @!p0 $0xF7A, s2;
	p2 =	seq.s32 @!p0 s5, $0x0  }
0x1f: {  	s9 =	smul.u32 $0xF7A, s1;
	s8 =	simm.s32 @!p0 $0x1BF5;
	p2 =	por !p2, p0  }
0x20: {  	[sflag:s8] =	ssyncset.s32 @!p0 $0xFFFFF086;
	s6 =	sadd.s32 @!p0 s3, s7;
	s7 =	simm.s32 @!p0 $0x108  }
0x21: {  	s3 =	sadd.s32 s3, s9;
	s6 =	sadd.s32 @!p0 $0x88, s6;
	s7 =	simm.s32 @p2 $0x1082  }
0x22: {  	[simem:s7], [sflag:s8] =	dma.local @!p0 [hbm:s6], $0xF7A  }
0x23: {  	s9 =	sor.u32 $0xD0000000, s2;
	s6 =	simm.s32 $0x108;
	_ =	swait.ge @!p0 [sflag:s8], $0x0  }
0x24: {  	s3 =	sadd.s32 $0x88, s3;
	s6 =	simm.s32 @!p1 $0x1082;
	[sflag:s4] =	ssyncset.s32 $0xFFFFF086  }
0x25: {  	[simem:s6], [sflag:s4] =	dma.local [hbm:s3], $0xF7A  }
0x26: {  	[smem:$0x3F90] =	sst s1;
	(tag) =	ssettag s2;
	_ =	strace s9  }
0x27: {  	s1 =	sld [smem:$0x3FA0]  }
0x28: {  	s2 =	sld [smem:$0x3FA1]  }
0x29: {  	s4 =	sld [smem:$0x3FA3]  }
0x2a: {  	p0 =	seq.s32 s5, $0x0;
	s5 =	sld [smem:$0x3FA4]  }
0x2b: {  	s6 =	sld [smem:$0x3FA5]  }
0x2c: {  	s7 =	sld [smem:$0x3FA6]  }
0x2d: {  	s3 =	simm.s32 $0x108;
	s8 =	sld [smem:$0x3FA7]  }
0x2e: {  	s3 =	simm.s32 @!p0 $0x1082;
	s9 =	sld [smem:$0x3FA8]  }
0x2f: {  	lr =	sadd.s32 s0, s3;
	s0 =	sld [smem:$0x3F9F]  }
0x30: {  	s3 =	sld [smem:$0x3FA2]  }
0x31: {  	[smem:$0x3FAB] =	sst s10  }
0x32: {  	s10 =	sld [smem:$0x3FA9];
	_ =	sdelay $0x3  }
0x33: {  	p0 =	seq.s32 s10, $0x1;
	s10 =	sld [smem:$0x3FAB];
	_ =	sdelay $0x3  }
0x34: {  	[smem:$0x3FAB] =	sst s10  }
0x35: {  	s10 =	sld [smem:$0x3FAA];
	_ =	sdelay $0x3  }
0x36: {  	p1 =	seq.s32 s10, $0x1;
	s10 =	sld [smem:$0x3FAB];
	_ =	sdelay $0x3  }
0x37: {  	[smem:$0x3FAB] =	sst s10  }
0x38: {  	s10 =	sld [smem:$0x3FAC]  }
0x39: {  	_ = 	snop;
	(pc) =	sbr.ind lr, $3  }
0x3a: {  	_ = 	snop  }
0x3b: {  	_ = 	snop  }
0x3c: {  	p2 =	seq.s32 s10, $0x1;
	s10 =	sld [smem:$0x3FAB]  }
0x3d: {  	_ =	shalt  }
0x3e: {  	_ =	shalt  }
0x3f: {  	_ =	shalt  }
0x40: {  	_ =	shalt  }
0x41: {  	_ =	shalt  }
0x42: {  	_ =	shalt  }
0x43: {  	_ =	shalt  }
0x44: {  	_ =	shalt  }
0x45: {  	_ =	shalt  }
0x46: {  	_ =	shalt  }
0x47: {  	_ =	shalt  }
0x48: {  	_ =	shalt  }
0x49: {  	_ =	shalt  }
0x4a: {  	_ =	shalt  }
0x4b: {  	_ =	shalt  }
0x4c: {  	_ =	shalt  }
0x4d: {  	_ =	shalt  }
0x4e: {  	_ =	shalt  }
0x4f: {  	_ =	shalt  }
0x50: {  	_ =	shalt  }
0x51: {  	_ =	shalt  }
0x52: {  	_ =	shalt  }
0x53: {  	_ =	shalt  }
0x54: {  	_ =	shalt  }
0x55: {  	_ =	shalt  }
0x56: {  	_ =	shalt  }
0x57: {  	_ =	shalt  }
0x58: {  	_ =	shalt  }
0x59: {  	_ =	shalt  }
0x5a: {  	_ =	shalt  }
0x5b: {  	_ =	shalt  }
0x5c: {  	_ =	shalt  }
0x5d: {  	_ =	shalt  }
0x5e: {  	_ =	shalt  }
0x5f: {  	_ =	shalt  }
0x60: {  	_ =	shalt  }
0x61: {  	_ =	shalt  }
0x62: {  	_ =	shalt  }
0x63: {  	_ =	shalt  }
0x64: {  	_ =	shalt  }
0x65: {  	_ =	shalt  }
0x66: {  	_ =	shalt  }
0x67: {  	_ =	shalt  }
0x68: {  	_ =	shalt  }
0x69: {  	_ =	shalt  }
0x6a: {  	_ =	shalt  }
0x6b: {  	_ =	shalt  }
0x6c: {  	_ =	shalt  }
0x6d: {  	_ =	shalt  }
0x6e: {  	_ =	shalt  }
0x6f: {  	_ =	shalt  }
0x70: {  	_ =	shalt  }
0x71: {  	_ =	shalt  }
0x72: {  	_ =	shalt  }
0x73: {  	_ =	shalt  }
0x74: {  	_ =	shalt  }
0x75: {  	_ =	shalt  }
0x76: {  	_ =	shalt  }
0x77: {  	_ =	shalt  }
0x78: {  	_ =	shalt  }
0x79: {  	_ =	shalt  }
0x7a: {  	_ =	shalt  }
0x7b: {  	_ =	shalt  }
0x7c: {  	_ =	shalt  }
0x7d: {  	_ =	shalt  }
0x7e: {  	_ =	shalt  }
0x7f: {  	_ =	shalt  }
0x80: {  	_ =	shalt  }
0x81: {  	_ =	shalt  }
0x82: {  	_ =	shalt  }
0x83: {  	_ =	shalt  }
0x84: {  	_ =	shalt  }
0x85: {  	_ =	shalt  }
0x86: {  	_ =	shalt  }
0x87: {  	_ =	shalt  }
.Lfunc_end0:
.L_simem_size_0:
called_computation.3_lowered:
.L_overlay_start_0:
0x88: {  	s2 =	sld [smem:$0x3FD9]  }
0x89: {  	s3 =	sld [smem:$0x3FFE];
	_ =	sdelay $0x1  }
0x8a: {  	s1 =	srdreg.scid  }
0x8b: {  	s0 =	sand.u32 $0x1, s1  }
0x8c: {  	s17 =	sshll.u32 s0, $0xA;
	s2 =	sadd.s32 s3, s2  }
0x8d: {  	s2 =	sadd.s32 s2, s17  }
0x8e: {  	[smem:$0x3FB7] =	sst s2  }
0x8f: {  	_ = 	snop  }
0x90: {  	s2 =	sld [smem:$0x3FD0];
	(tm) =	ssettm $0x1  }
0x91: {  	s18 =	sld [smem:$0x3FFB];
	_ =	sdelay $0x3  }
0x92: {  	_ =	strace s18  }
0x93: {  	s3 =	sld [smem:$0x3FFC];
	_ =	sdelay $0x3  }
0x94: {  	_ =	strace s3  }
0x95: {  	s3 =	sld [smem:$0x3FFD];
	_ =	sdelay $0x3  }
0x96: {  	_ =	strace s3  }
0x97: {  	_ =	strace $0x8FFFFFFF  }
0x98: {  	s19 =	sld [smem:$0x3FDB];
	_ =	sdelay $0x1  }
0x99: {  	s4 =	simm.s32 $_scs_section_size  }
0x9a: {  	s5 =	simm.s32 $_size__tile_overlayer_lowered;
	s6 =	simm.s32 $_tile_overlayer_lowered  }
0x9b: {  	s22 =	simm.s32 $0x1BFF;
	s21 =	sshll.u32 s6, $0x1;
	s3 =	sadd.s32 s4, s19  }
0x9c: {  	s7 =	simm.s32 $0x0;
	s20 =	sshll.u32 s5, $0x1;
	s5 =	sadd.s32 s21, s3  }
0x9d: {  	[timem:s7], [sflag:s22] =	dma.local [hbm:s5], s20  }
0x9e: {  	_ =	swait.ge [sflag:s22], s20  }
0x9f: {  	s4 =	ssub.s32 $0x0, s20;
	[sflag:s22] =	ssyncset.done $0x0  }
0xa0: {  	[sflag:s22] =	ssyncadd.s32 s4;
	_ =	sdelay $0x1  }
0xa1: {  	s23 =	simm.s32 $0x1B8B  }
0xa2: {  	_ =	swait.ge [sflag:s23], $0x1  }
0xa3: {  	[sflag:s23] =	ssyncset.done $0x0  }
0xa4: {  	s25 =	simm.s32 $0x1B8E;
	s24 =	sld [smem:$0x3FFE];
	[sflag:s23] =	ssyncadd.s32 $0xFFFFFFFF  }
0xa5: {  	s26 =	simm.s32 $execute0_lowered;
	[smem:$0x3FD2] =	sst s25  }
0xa6: {  	s5 =	sshll.u32 s26, $0x1;
	_ =	strace $0x8000004F;
	[dreg:$0x1] =	wrdreg $0xFFFFFFFF  }
0xa7: {  	s28 =	simm.s32 $_size_execute0_lowered;
	s3 =	sadd.s32 s3, s5;
	[dreg:$0x0] =	wrdreg $0x0  }
0xa8: {  	s5 =	sshll.u32 s28, $0x1;
	[dreg:$0x2] =	wrdreg s3  }
0xa9: {  	[dreg:$0x3] =	wrdreg s5  }
0xaa: {  	[dreg:$0x4] =	wrdreg $0xC0  }
0xab: {  	_ =	task [dreg:s7], $0x5FFFF  }
0xac: {  	[dreg:$0x1] =	wrdreg $0xFFFFFFFF  }
0xad: {  	[dreg:$0x0] =	wrdreg $0x60  }
0xae: {  	[dreg:$0x2] =	wrdreg s24  }
0xaf: {  	[dreg:$0x3] =	wrdreg s2  }
0xb0: {  	[dreg:$0x4] =	wrdreg $0x9  }
0xb1: {  	_ =	task.clear_ibuf [dreg:s7], $0x5FFFF;
	_ =	strace $0x9000004F  }
0xb2: {  	s29 =	simm.s32 $0x9;
	_ =	strace $0x80000051  }
0xb3: {  	_ =	swait.ge [sflag:s29], $0x1  }
0xb4: {  	[sflag:s29] =	ssyncadd.s32 $0xFFFFFFFF  }
0xb5: {  	_ =	strace $0x90000051  }
0xb6: {  	_ =	sfence  }
0xb7: {  	s30 =	sld [smem:$0x0];
	_ =	sdelay $0x2  }
0xb8: {  	s31 =	sshll.u32 s1, $0xD;
	s1 =	sshrl.u32 s1, $0x2  }
0xb9: {  	s3 =	sand.u32 $0x4000, s31;
	s1 =	sadd.s32 s1, s30  }
0xba: {  	s0 =	sor.u32 s3, s0;
	s1 =	sshll.u32 s1, $0x11  }
0xbb: {  	s0 =	sor.u32 s1, s0  }
0xbc: {  	s0 =	sadd.s32 $0x8F2B, s0  }
0xbd: {  	[sflag:s0] =	ssyncadd.remote.s32 $0x1  }
0xbe: {  	_ =	sfence.sel $0xFFFF  }
0xbf: {  	[dreg:$0x0] =	wrdreg $0xFFFFFFFF;
	(pc) =	sbr.abs _section_cstart, $3  }
0xc0: {  	[dreg:$0x1] =	wrdreg $0xFFFFFFFF  }
0xc1: {  	_ =	task.clear_ibuf [dreg:s7], $0x2FFFF;
	_ =	strace $0x9FFFFFFF  }
0xc2: {  	(tm) =	ssettm $0x7FFFFFFF  }
0xc3: {  	_ =	shalt  }
tec
execute0_lowered:
.L_overlay_start_1:
0x0: {  	(tag) =	ssettag $0x1  }
0x1: {  	s6 =	rddreg [dreg:$0x0]  }
0x2: {  	s1 =	rddreg [dreg:$0x1]  }
0x3: {  	s0 =	rddreg [dreg:$0x2];
	s2 =	simm.s32 $0x0  }
0x4: {  	s3 =	srdreg.scid;
	s13 =	simm.s32 $0x8100;
	s14 =	simm.s32 $0x3  }
0x5: {  	s15 =	simm.s32 $0xA900;
	s16 =	simm.s32 $0x80;
	s17 =	simm.s32 $0x100  }
0x6: {  	s18 =	simm.s32 $0x4100;
	s19 =	simm.s32 $0xD100;
	s20 =	simm.s32 $0xD180  }
0x7: {  	s21 =	simm.s32 $0x1;
	s22 =	simm.s32 $0x2;
	s5 =	sand.u32 $0x1, s3  }
0x8: {  	s23 =	simm.s32 $0x0;
	[smem:$0x7FF] =	sst s2;
	s7 =	smul.u32 $0xC8000, s5  }
0x9: {  	s4 =	sadd.s32 $0x4A00, s6;
	s3 =	stileid.u32;
	s8 =	smul.u32 $0x1900, s5  }
0xa: {  	_ =	strace $0x80000050;
	s9 =	ssub.s32 $0x2, s5;
	s11 =	smul.u32 $0xC800, s3  }
0xb: {  	s5 =	sadd.s32 $0x8F800, s6;
	s30 =	smul.u32 $0x190, s3;
	s10 =	sshrl.u32 s9, $0x1  }
0xc: {  	s7 =	sadd.s32 s7, s6;
	s9 =	ssub.s32 s9, s10;
	s12 =	sadd.s32 s8, s6  }
0xd: {  	s6 =	smax.u32 s9, $0x1;
	s31 =	sadd.s32 s11, s7;
	s12 =	sadd.s32 s30, s12  }
0xe: {  	s7 =	sadd.s32 $0x226200, s31;
	s8 =	sadd.s32 $0x96200, s31;
	s9 =	sadd.s32 $0x93000, s12  }
0xf: {  	v0 =	vimm.f32 $0.0e+00;
	s10 =	sadd.s32 $0x8FE00, s12;
	s11 =	sadd.s32 $0x2EE00, s12;
	s12 =	sadd.s32 $0x2BC00, s12  }
.LBB2_1:
0x10: {  	[tilespmem:s13], [sflag:$0x3] =	stream.linear.gather [hbm4b:s1+s2], $0x2800, $0x38;
	[tilespmem:$0xD200] =	vst v63  }
0x11: {  	_ =	swait.ge [sflag:s14], $0x2800  }
0x12: {  	[sflag:s14] =	ssyncset.done $0x0  }
0x13: {  	[sflag:s14] =	ssyncadd.s32 $0xFFFFD800  }
0x14: {  	[tilespmem:s15], [sflag:$0x3] =	stream.linear.gather [hbm4b:s5+s2], $0x2800, $0x38;
	[tilespmem:$0xD200] =	vst v63  }
0x15: {  	_ =	swait.ge [sflag:s14], $0x2800  }
0x16: {  	[sflag:s14] =	ssyncset.done $0x0  }
0x17: {  	s24 =	sadd.s32 $0x0, s9;
	[sflag:s14] =	ssyncadd.s32 $0xFFFFD800  }
0x18: {  	[tilespmem:s2], [sflag:$0x3] =	stream.linear.gather [hbm4b:s24+s2], $0x80, $0x38;
	[tilespmem:$0xD200] =	vst v63  }
0x19: {  	_ =	swait.ge [sflag:s14], $0x80  }
0x1a: {  	[sflag:s14] =	ssyncset.done $0x0  }
0x1b: {  	s26 =	sadd.s32 $0x0, s10;
	[sflag:s14] =	ssyncadd.s32 $0xFFFFFF80  }
0x1c: {  	[tilespmem:s16], [sflag:$0x3] =	stream.linear.gather [hbm4b:s26+s2], $0x80, $0x38;
	[tilespmem:$0xD200] =	vst v63  }
0x1d: {  	_ =	swait.ge [sflag:s14], $0x80  }
0x1e: {  	[sflag:s14] =	ssyncset.done $0x0  }
0x1f: {  	[sflag:s14] =	ssyncadd.s32 $0xFFFFFF80  }
0x20: {  	[tilespmem:s17], [sflag:$0x1] =	stream.indirect.gather [hbm4b:s4+s16], $0x80, s2, s16, $0xb8;
	[tilespmem:$0xD200] =	vst v63  }
0x21: {  	_ = 	snop  }
0x22: {  	[tilespmem:s18], [sflag:$0x2] =	stream.indirect.gather [hbm4b:s4+s16], $0x80, s16, s16, $0xb8;
	[tilespmem:$0xD200] =	vst v63  }
0x23: {  	v1 =	vld [tilespmem:$0x0]  }
0x24: {  	v2 =	vld [tilespmem:$0x80];
	_ =	sdelay $0x6  }
0x25: {  	v3 =	vld.idx.msk [tilespmem:v1+s13+$0x0], $0xffff  }
0x26: {  	v4 =	vld.idx.msk [tilespmem:v2+s13+$0x0], $0xffff;
	_ =	sdelay $0x4  }
0x27: {  	v3 =	vsub.s32 v4, v3  }
0x28: {  	v3 =	vcvt.s32.f32 v3;
	_ =	sdelay $0x1  }
0x29: {  	v57 =	vld [tilespmem:$0x10];
	[tilespmem:$0xD100] =	vst v3  }
0x2a: {  	v1 =	vld.idx.msk [tilespmem:v1+s15+$0x0], $0xffff  }
0x2b: {  	v2 =	vld.idx.msk [tilespmem:v2+s15+$0x0], $0xffff  }
0x2c: {  	v3 =	vld [tilespmem:$0x90];
	_ =	sdelay $0x3  }
0x2d: {  	vm0 =	veq.s32 v1, v2  }
0x2e: {  	v1 =	vsel vm0, $0x3F800000, v0  }
0x2f: {  	[tilespmem:$0xD180] =	vst v1  }
0x30: {  	v1 =	vld.idx.msk [tilespmem:v57+s13+$0x0], $0xffff  }
0x31: {  	v2 =	vld.idx.msk [tilespmem:v3+s13+$0x0], $0xffff;
	_ =	sdelay $0x4  }
0x32: {  	v1 =	vsub.s32 v2, v1  }
0x33: {  	v1 =	vcvt.s32.f32 v1;
	_ =	sdelay $0x1  }
0x34: {  	v2 =	vld [tilespmem:$0x20];
	[tilespmem:$0xD110] =	vst v1  }
0x35: {  	v1 =	vld.idx.msk [tilespmem:v57+s15+$0x0], $0xffff  }
0x36: {  	v3 =	vld.idx.msk [tilespmem:v3+s15+$0x0], $0xffff  }
0x37: {  	v58 =	vld [tilespmem:$0xA0];
	_ =	sdelay $0x3  }
0x38: {  	vm9 =	veq.s32 v1, v3  }
0x39: {  	v1 =	vsel vm9, $0x3F800000, v0  }
0x3a: {  	[tilespmem:$0xD190] =	vst v1  }
0x3b: {  	v1 =	vld.idx.msk [tilespmem:v2+s13+$0x0], $0xffff  }
0x3c: {  	v3 =	vld.idx.msk [tilespmem:v58+s13+$0x0], $0xffff;
	_ =	sdelay $0x4  }
0x3d: {  	v1 =	vsub.s32 v3, v1  }
0x3e: {  	v1 =	vcvt.s32.f32 v1;
	_ =	sdelay $0x1  }
0x3f: {  	v3 =	vld [tilespmem:$0x30];
	[tilespmem:$0xD120] =	vst v1  }
0x40: {  	v1 =	vld.idx.msk [tilespmem:v2+s15+$0x0], $0xffff  }
0x41: {  	v2 =	vld.idx.msk [tilespmem:v58+s15+$0x0], $0xffff  }
0x42: {  	v59 =	vld [tilespmem:$0xB0];
	_ =	sdelay $0x3  }
0x43: {  	vm10 =	veq.s32 v1, v2  }
0x44: {  	v1 =	vsel vm10, $0x3F800000, v0  }
0x45: {  	[tilespmem:$0xD1A0] =	vst v1  }
0x46: {  	v1 =	vld.idx.msk [tilespmem:v3+s13+$0x0], $0xffff  }
0x47: {  	v2 =	vld.idx.msk [tilespmem:v59+s13+$0x0], $0xffff;
	_ =	sdelay $0x4  }
0x48: {  	v1 =	vsub.s32 v2, v1  }
0x49: {  	v1 =	vcvt.s32.f32 v1;
	_ =	sdelay $0x1  }
0x4a: {  	v2 =	vld [tilespmem:$0x40];
	[tilespmem:$0xD130] =	vst v1  }
0x4b: {  	v1 =	vld.idx.msk [tilespmem:v3+s15+$0x0], $0xffff  }
0x4c: {  	v3 =	vld.idx.msk [tilespmem:v59+s15+$0x0], $0xffff  }
0x4d: {  	v60 =	vld [tilespmem:$0xC0];
	_ =	sdelay $0x3  }
0x4e: {  	vm11 =	veq.s32 v1, v3  }
0x4f: {  	v1 =	vsel vm11, $0x3F800000, v0  }
0x50: {  	[tilespmem:$0xD1B0] =	vst v1  }
0x51: {  	v1 =	vld.idx.msk [tilespmem:v2+s13+$0x0], $0xffff  }
0x52: {  	v3 =	vld.idx.msk [tilespmem:v60+s13+$0x0], $0xffff;
	_ =	sdelay $0x4  }
0x53: {  	v1 =	vsub.s32 v3, v1  }
0x54: {  	v1 =	vcvt.s32.f32 v1;
	_ =	sdelay $0x1  }
0x55: {  	v3 =	vld [tilespmem:$0x50];
	[tilespmem:$0xD140] =	vst v1  }
0x56: {  	v1 =	vld.idx.msk [tilespmem:v2+s15+$0x0], $0xffff  }
0x57: {  	v2 =	vld.idx.msk [tilespmem:v60+s15+$0x0], $0xffff  }
0x58: {  	v61 =	vld [tilespmem:$0xD0];
	_ =	sdelay $0x3  }
0x59: {  	vm12 =	veq.s32 v1, v2  }
0x5a: {  	v1 =	vsel vm12, $0x3F800000, v0  }
0x5b: {  	[tilespmem:$0xD1C0] =	vst v1  }
0x5c: {  	v1 =	vld.idx.msk [tilespmem:v3+s13+$0x0], $0xffff  }
0x5d: {  	v2 =	vld.idx.msk [tilespmem:v61+s13+$0x0], $0xffff;
	_ =	sdelay $0x4  }
0x5e: {  	v1 =	vsub.s32 v2, v1  }
0x5f: {  	v1 =	vcvt.s32.f32 v1;
	_ =	sdelay $0x1  }
0x60: {  	v2 =	vld [tilespmem:$0x60];
	[tilespmem:$0xD150] =	vst v1  }
0x61: {  	v1 =	vld.idx.msk [tilespmem:v3+s15+$0x0], $0xffff  }
0x62: {  	v3 =	vld.idx.msk [tilespmem:v61+s15+$0x0], $0xffff  }
0x63: {  	v62 =	vld [tilespmem:$0xE0];
	_ =	sdelay $0x3  }
0x64: {  	vm13 =	veq.s32 v1, v3  }
0x65: {  	v1 =	vsel vm13, $0x3F800000, v0  }
0x66: {  	[tilespmem:$0xD1D0] =	vst v1  }
0x67: {  	v1 =	vld.idx.msk [tilespmem:v2+s13+$0x0], $0xffff  }
0x68: {  	v3 =	vld.idx.msk [tilespmem:v62+s13+$0x0], $0xffff;
	_ =	sdelay $0x4  }
0x69: {  	v1 =	vsub.s32 v3, v1  }
0x6a: {  	v1 =	vcvt.s32.f32 v1;
	_ =	sdelay $0x1  }
0x6b: {  	v3 =	vld [tilespmem:$0x70];
	[tilespmem:$0xD160] =	vst v1  }
0x6c: {  	v1 =	vld.idx.msk [tilespmem:v2+s15+$0x0], $0xffff  }
0x6d: {  	v2 =	vld.idx.msk [tilespmem:v62+s15+$0x0], $0xffff  }
0x6e: {  	v63 =	vld [tilespmem:$0xF0];
	_ =	sdelay $0x3  }
0x6f: {  	vm14 =	veq.s32 v1, v2  }
0x70: {  	v1 =	vsel vm14, $0x3F800000, v0  }
0x71: {  	[tilespmem:$0xD1E0] =	vst v1  }
0x72: {  	v1 =	vld.idx.msk [tilespmem:v3+s13+$0x0], $0xffff  }
0x73: {  	v2 =	vld.idx.msk [tilespmem:v63+s13+$0x0], $0xffff;
	_ =	sdelay $0x4  }
0x74: {  	v1 =	vsub.s32 v2, v1  }
0x75: {  	v1 =	vcvt.s32.f32 v1;
	_ =	sdelay $0x1  }
0x76: {  	[tilespmem:$0xD170] =	vst v1  }
0x77: {  	v1 =	vld.idx.msk [tilespmem:v3+s15+$0x0], $0xffff  }
0x78: {  	v2 =	vld.idx.msk [tilespmem:v63+s15+$0x0], $0xffff;
	_ =	sdelay $0x4  }
0x79: {  	vm15 =	veq.s32 v1, v2  }
0x7a: {  	v1 =	vsel vm15, $0x3F800000, v0  }
0x7b: {  	s30 =	sadd.s32 $0x0, s12;
	[tilespmem:$0xD1F0] =	vst v1  }
0x7c: {  	[hbm4b:s30+s2] =	stream.linear.scatter [tilespmem:s19], [sflag:$0x3], $0x80, $0x38;
	[tilespmem:$0xD200] =	vst v63  }
0x7d: {  	s31 =	sadd.s32 $0x0, s11;
	s28 =	smov.u32 s7;
	_ =	swait.ge [sflag:s14], $0x80  }
0x7e: {  	s29 =	smov.u32 s8;
	s25 =	smov.u32 s8;
	[sflag:s14] =	ssyncset.done $0x0  }
0x7f: {  	s24 =	smov.u32 s7;
	s26 =	simm.s32 $0x10;
	[sflag:s14] =	ssyncadd.s32 $0xFFFFFF80  }
0x80: {  	[hbm4b:s31+s2] =	stream.linear.scatter [tilespmem:s20], [sflag:$0x3], $0x80, $0x38;
	[tilespmem:$0xD200] =	vst v63  }
.LBB2_2:
0x81: {  	_ =	swait.ge [sflag:s14], $0x80  }
0x82: {  	s28 =	sadd.s32 $0x800, s28;
	s29 =	sadd.s32 $0x800, s29;
	s30 =	smov.u32 s26  }
0x83: {  	p0 =	sne.s32 s26, $0x180;
	s26 =	sadd.s32 $0x10, s26;
	[sflag:s14] =	ssyncset.done $0x0  }
0x84: {  	[sflag:s14] =	ssyncadd.s32 $0xFFFFFF80  }
0x85: {  	_ =	swait.ge [sflag:s21], $0x4000  }
0x86: {  	[sflag:s21] =	ssyncset.done $0x0  }
0x87: {  	[sflag:s21] =	ssyncadd.s32 $0xFFFFC000  }
0x88: {  	[hbm4b:s25+s2] =	stream.linear.scatter [tilespmem:s17], [sflag:$0x3], $0x4000, $0x38;
	[tilespmem:$0xD200] =	vst v63  }
0x89: {  	s25 =	smov.u32 s29;
	_ =	swait.ge [sflag:s14], $0x4000  }
0x8a: {  	[sflag:s14] =	ssyncset.done $0x0  }
0x8b: {  	[sflag:s14] =	ssyncadd.s32 $0xFFFFC000  }
0x8c: {  	_ =	swait.ge [sflag:s22], $0x4000  }
0x8d: {  	[sflag:s22] =	ssyncset.done $0x0  }
0x8e: {  	[sflag:s22] =	ssyncadd.s32 $0xFFFFC000  }
0x8f: {  	[hbm4b:s24+s2] =	stream.linear.scatter [tilespmem:s18], [sflag:$0x3], $0x4000, $0x38;
	[tilespmem:$0xD200] =	vst v63  }
0x90: {  	s24 =	smov.u32 s28;
	_ =	swait.ge [sflag:s14], $0x4000  }
0x91: {  	[sflag:s14] =	ssyncset.done $0x0  }
0x92: {  	s31 =	sadd.s32 s30, s9;
	[sflag:s14] =	ssyncadd.s32 $0xFFFFC000  }
0x93: {  	[tilespmem:s2], [sflag:$0x3] =	stream.linear.gather [hbm4b:s31+s2], $0x80, $0x38;
	[tilespmem:$0xD200] =	vst v63  }
0x94: {  	_ =	swait.ge [sflag:s14], $0x80  }
0x95: {  	[sflag:s14] =	ssyncset.done $0x0  }
0x96: {  	s31 =	sadd.s32 s30, s10;
	[sflag:s14] =	ssyncadd.s32 $0xFFFFFF80  }
0x97: {  	[tilespmem:s16], [sflag:$0x3] =	stream.linear.gather [hbm4b:s31+s2], $0x80, $0x38;
	[tilespmem:$0xD200] =	vst v63  }
0x98: {  	_ =	swait.ge [sflag:s14], $0x80  }
0x99: {  	[sflag:s14] =	ssyncset.done $0x0  }
0x9a: {  	[sflag:s14] =	ssyncadd.s32 $0xFFFFFF80  }
0x9b: {  	[tilespmem:s17], [sflag:$0x1] =	stream.indirect.gather [hbm4b:s4+s16], $0x80, s2, s16, $0xb8;
	[tilespmem:$0xD200] =	vst v63  }
0x9c: {  	_ = 	snop  }
0x9d: {  	[tilespmem:s18], [sflag:$0x2] =	stream.indirect.gather [hbm4b:s4+s16], $0x80, s16, s16, $0xb8;
	[tilespmem:$0xD200] =	vst v63  }
0x9e: {  	v9 =	vld [tilespmem:$0x0]  }
0x9f: {  	v10 =	vld [tilespmem:$0x80]  }
0xa0: {  	v11 =	vld [tilespmem:$0x10]  }
0xa1: {  	v12 =	vld [tilespmem:$0x90]  }
0xa2: {  	v13 =	vld [tilespmem:$0x20]  }
0xa3: {  	v14 =	vld [tilespmem:$0xA0]  }
0xa4: {  	v15 =	vld [tilespmem:$0x30]  }
0xa5: {  	v16 =	vld [tilespmem:$0xB0]  }
0xa6: {  	v1 =	vld.idx.msk [tilespmem:v9+s13+$0x0], $0xffff  }
0xa7: {  	v2 =	vld.idx.msk [tilespmem:v10+s13+$0x0], $0xffff  }
0xa8: {  	v7 =	vld [tilespmem:$0x40]  }
0xa9: {  	v8 =	vld [tilespmem:$0xC0]  }
0xaa: {  	v5 =	vld [tilespmem:$0x50]  }
0xab: {  	v6 =	vld [tilespmem:$0xD0]  }
0xac: {  	v3 =	vld [tilespmem:$0x60]  }
0xad: {  	v1 =	vsub.s32 v2, v1;
	v4 =	vld [tilespmem:$0xE0]  }
0xae: {  	v17 =	vcvt.s32.f32 v1;
	v1 =	vld [tilespmem:$0x70]  }
0xaf: {  	v2 =	vld [tilespmem:$0xF0]  }
0xb0: {  	[tilespmem:$0xD100] =	vst v17  }
0xb1: {  	v9 =	vld.idx.msk [tilespmem:v9+s15+$0x0], $0xffff  }
0xb2: {  	v10 =	vld.idx.msk [tilespmem:v10+s15+$0x0], $0xffff;
	_ =	sdelay $0x5  }
0xb3: {  	vm0 =	veq.s32 v9, v10  }
0xb4: {  	v9 =	vsel vm0, $0x3F800000, v0  }
0xb5: {  	[tilespmem:$0xD180] =	vst v9  }
0xb6: {  	v9 =	vld.idx.msk [tilespmem:v11+s13+$0x0], $0xffff  }
0xb7: {  	v10 =	vld.idx.msk [tilespmem:v12+s13+$0x0], $0xffff;
	_ =	sdelay $0x5  }
0xb8: {  	v9 =	vsub.s32 v10, v9  }
0xb9: {  	v9 =	vcvt.s32.f32 v9;
	_ =	sdelay $0x1  }
0xba: {  	[tilespmem:$0xD110] =	vst v9  }
0xbb: {  	v9 =	vld.idx.msk [tilespmem:v11+s15+$0x0], $0xffff  }
0xbc: {  	v10 =	vld.idx.msk [tilespmem:v12+s15+$0x0], $0xffff;
	_ =	sdelay $0x5  }
0xbd: {  	vm0 =	veq.s32 v9, v10  }
0xbe: {  	v9 =	vsel vm0, $0x3F800000, v0  }
0xbf: {  	[tilespmem:$0xD190] =	vst v9  }
0xc0: {  	v9 =	vld.idx.msk [tilespmem:v13+s13+$0x0], $0xffff  }
0xc1: {  	v10 =	vld.idx.msk [tilespmem:v14+s13+$0x0], $0xffff;
	_ =	sdelay $0x5  }
0xc2: {  	v9 =	vsub.s32 v10, v9  }
0xc3: {  	v9 =	vcvt.s32.f32 v9;
	_ =	sdelay $0x1  }
0xc4: {  	[tilespmem:$0xD120] =	vst v9  }
0xc5: {  	v9 =	vld.idx.msk [tilespmem:v13+s15+$0x0], $0xffff  }
0xc6: {  	v10 =	vld.idx.msk [tilespmem:v14+s15+$0x0], $0xffff;
	_ =	sdelay $0x5  }
0xc7: {  	vm0 =	veq.s32 v9, v10  }
0xc8: {  	v9 =	vsel vm0, $0x3F800000, v0  }
0xc9: {  	[tilespmem:$0xD1A0] =	vst v9  }
0xca: {  	v9 =	vld.idx.msk [tilespmem:v15+s13+$0x0], $0xffff  }
0xcb: {  	v10 =	vld.idx.msk [tilespmem:v16+s13+$0x0], $0xffff;
	_ =	sdelay $0x5  }
0xcc: {  	v9 =	vsub.s32 v10, v9  }
0xcd: {  	v9 =	vcvt.s32.f32 v9;
	_ =	sdelay $0x1  }
0xce: {  	[tilespmem:$0xD130] =	vst v9  }
0xcf: {  	v9 =	vld.idx.msk [tilespmem:v15+s15+$0x0], $0xffff  }
0xd0: {  	v10 =	vld.idx.msk [tilespmem:v16+s15+$0x0], $0xffff;
	_ =	sdelay $0x5  }
0xd1: {  	vm0 =	veq.s32 v9, v10  }
0xd2: {  	v9 =	vsel vm0, $0x3F800000, v0  }
0xd3: {  	[tilespmem:$0xD1B0] =	vst v9  }
0xd4: {  	v9 =	vld.idx.msk [tilespmem:v7+s13+$0x0], $0xffff  }
0xd5: {  	v10 =	vld.idx.msk [tilespmem:v8+s13+$0x0], $0xffff;
	_ =	sdelay $0x5  }
0xd6: {  	v9 =	vsub.s32 v10, v9  }
0xd7: {  	v9 =	vcvt.s32.f32 v9;
	_ =	sdelay $0x1  }
0xd8: {  	[tilespmem:$0xD140] =	vst v9  }
0xd9: {  	v7 =	vld.idx.msk [tilespmem:v7+s15+$0x0], $0xffff  }
0xda: {  	v8 =	vld.idx.msk [tilespmem:v8+s15+$0x0], $0xffff;
	_ =	sdelay $0x5  }
0xdb: {  	vm0 =	veq.s32 v7, v8  }
0xdc: {  	v7 =	vsel vm0, $0x3F800000, v0  }
0xdd: {  	[tilespmem:$0xD1C0] =	vst v7  }
0xde: {  	v7 =	vld.idx.msk [tilespmem:v5+s13+$0x0], $0xffff  }
0xdf: {  	v8 =	vld.idx.msk [tilespmem:v6+s13+$0x0], $0xffff;
	_ =	sdelay $0x5  }
0xe0: {  	v7 =	vsub.s32 v8, v7  }
0xe1: {  	v7 =	vcvt.s32.f32 v7;
	_ =	sdelay $0x1  }
0xe2: {  	[tilespmem:$0xD150] =	vst v7  }
0xe3: {  	v5 =	vld.idx.msk [tilespmem:v5+s15+$0x0], $0xffff  }
0xe4: {  	v6 =	vld.idx.msk [tilespmem:v6+s15+$0x0], $0xffff;
	_ =	sdelay $0x5  }
0xe5: {  	vm0 =	veq.s32 v5, v6  }
0xe6: {  	v5 =	vsel vm0, $0x3F800000, v0  }
0xe7: {  	[tilespmem:$0xD1D0] =	vst v5  }
0xe8: {  	v5 =	vld.idx.msk [tilespmem:v3+s13+$0x0], $0xffff  }
0xe9: {  	v6 =	vld.idx.msk [tilespmem:v4+s13+$0x0], $0xffff;
	_ =	sdelay $0x5  }
0xea: {  	v5 =	vsub.s32 v6, v5  }
0xeb: {  	v5 =	vcvt.s32.f32 v5;
	_ =	sdelay $0x1  }
0xec: {  	[tilespmem:$0xD160] =	vst v5  }
0xed: {  	v3 =	vld.idx.msk [tilespmem:v3+s15+$0x0], $0xffff  }
0xee: {  	v4 =	vld.idx.msk [tilespmem:v4+s15+$0x0], $0xffff;
	_ =	sdelay $0x5  }
0xef: {  	vm0 =	veq.s32 v3, v4  }
0xf0: {  	v3 =	vsel vm0, $0x3F800000, v0  }
0xf1: {  	[tilespmem:$0xD1E0] =	vst v3  }
0xf2: {  	v3 =	vld.idx.msk [tilespmem:v1+s13+$0x0], $0xffff  }
0xf3: {  	v4 =	vld.idx.msk [tilespmem:v2+s13+$0x0], $0xffff;
	_ =	sdelay $0x2  }
0xf4: {  	s31 =	sadd.s32 s30, s12;
	_ =	sdelay $0x2  }
0xf5: {  	v3 =	vsub.s32 v4, v3  }
0xf6: {  	s30 =	sadd.s32 s30, s11;
	v3 =	vcvt.s32.f32 v3;
	_ =	sdelay $0x1  }
0xf7: {  	[tilespmem:$0xD170] =	vst v3  }
0xf8: {  	v1 =	vld.idx.msk [tilespmem:v1+s15+$0x0], $0xffff  }
0xf9: {  	v2 =	vld.idx.msk [tilespmem:v2+s15+$0x0], $0xffff;
	_ =	sdelay $0x5  }
0xfa: {  	vm0 =	veq.s32 v1, v2  }
0xfb: {  	v1 =	vsel vm0, $0x3F800000, v0  }
0xfc: {  	[tilespmem:$0xD1F0] =	vst v1  }
0xfd: {  	[hbm4b:s31+s2] =	stream.linear.scatter [tilespmem:s19], [sflag:$0x3], $0x80, $0x38;
	[tilespmem:$0xD200] =	vst v63  }
.Ltmp0:
0xfe: {  	_ = 	snop;
	(pc) =	sbr.rel @p0 .LBB2_2-.Ltmp0, $4  }
0xff: {  	_ =	swait.ge [sflag:s14], $0x80  }
0x100: {  	[sflag:s14] =	ssyncset.done $0x0  }
0x101: {  	[sflag:s14] =	ssyncadd.s32 $0xFFFFFF80  }
0x102: {  	[hbm4b:s30+s2] =	stream.linear.scatter [tilespmem:s20], [sflag:$0x3], $0x80, $0x38;
	[tilespmem:$0xD200] =	vst v63  }
0x103: {  	_ =	swait.ge [sflag:s14], $0x80  }
0x104: {  	[sflag:s14] =	ssyncset.done $0x0  }
0x105: {  	[sflag:s14] =	ssyncadd.s32 $0xFFFFFF80  }
0x106: {  	_ =	swait.ge [sflag:s21], $0x4000  }
0x107: {  	[sflag:s21] =	ssyncset.done $0x0  }
0x108: {  	[sflag:s21] =	ssyncadd.s32 $0xFFFFC000  }
0x109: {  	[hbm4b:s25+s2] =	stream.linear.scatter [tilespmem:s17], [sflag:$0x3], $0x4000, $0x38;
	[tilespmem:$0xD200] =	vst v63  }
0x10a: {  	_ =	swait.ge [sflag:s14], $0x4000  }
0x10b: {  	[sflag:s14] =	ssyncset.done $0x0  }
0x10c: {  	[sflag:s14] =	ssyncadd.s32 $0xFFFFC000  }
0x10d: {  	s23 =	sadd.s32 $0x1, s23;
	_ =	swait.ge [sflag:s22], $0x4000  }
0x10e: {  	p0 =	sne.s32 s23, s6;
	[sflag:s22] =	ssyncset.done $0x0  }
.Ltmp1:
0x10f: {  	[sflag:s22] =	ssyncadd.s32 $0xFFFFC000;
	(pc) =	sbr.rel @p0 .LBB2_1-.Ltmp1, $4  }
0x110: {  	[hbm4b:s24+s2] =	stream.linear.scatter [tilespmem:s18], [sflag:$0x3], $0x4000, $0x38;
	[tilespmem:$0xD200] =	vst v63  }
0x111: {  	_ =	swait.ge [sflag:s14], $0x4000  }
0x112: {  	[sflag:s14] =	ssyncset.done $0x0  }
0x113: {  	[sflag:s14] =	ssyncadd.s32 $0xFFFFC000  }
0x114: {  	_ =	sfence.sel $0x180000  }
0x115: {  	[bflag:$0x0] =	sbarrier.arrive $0xFFFF  }
0x116: {  	p0 =	sne.s32 s3, $0x0;
	_ =	strace $0x90000050  }
0x117: {  	s0 =	sadd.s32 @!p0 $0x100000, s0;
	[bflag:$0x2] =	sbarrier.arrive $0xFFFF  }
0x118: {  	[sflag:s0] =	ssyncadd.tile.s32 @!p0 $0x1;
	_ =	shalt  }
.Lfunc_end2:
_tile_overlayer_lowered:
.L_overlay_start_2:
0x119: {  	(tag) =	ssettag $0x2  }
0x11a: {  	s0 =	rddreg [dreg:$0x0];
	s2 =	stileid.u32  }
0x11b: {  	s1 =	rddreg [dreg:$0x1];
	p0 =	sne.s32 s2, $0x0  }
0x11c: {  	s3 =	rddreg [dreg:$0x2];
	[bflag:$0x3] =	sbarrier.arrive $0xFFFF;
	s2 =	simm.s32 @!p0 $0x1C03  }
0x11d: {  	[timem:s3], [sflag:s2] =	dma.local @!p0 [hbm:s0], s1  }
0x11e: {  	s0 =	simm.s32 @!p0 $0x3  }
0x11f: {  	_ =	swait.ge @!p0 [sflag:s0], s1  }
0x120: {  	s1 =	ssub.s32 @!p0 $0x0, s1;
	[sflag:s0] =	ssyncset.done @!p0 $0x0  }
0x121: {  	[sflag:s0] =	ssyncadd.s32 @!p0 s1  }
0x122: {  	[bflag:$0x3] =	sbarrier.arrive $0xFFFF  }
0x123: {  	_ =	shalt  }

</sc_bundles>
